<compile_context>
chip_gen: v7x
topology: tpu7x:2x2x1
jax: 0.10.2.dev20260603
libtpu: 0.0.44.dev20260713+nightly
codegen_flags: <defaults>
</compile_context>

<pallas_src>
import functools

import jax
import jax.numpy as jnp
from jax import lax
from jax.experimental import pallas as pl
from jax.experimental.pallas import tpu as pltpu
from jax.experimental.pallas import tpu_sc as plsc

EMBED_DIM = 64
HALF = EMBED_DIM // 2
BATCH = 16384
MODE_PAD = 8
TABLE_ROWS = 16 * MODE_PAD

NC = 2
NS = 16
L = 16
NW = NC * NS
BPW = BATCH // NW
GCH = 128
NG = BPW // GCH


def _table_body(miss_ref, mode_ref, w_ref, b_ref, out_ref):
    w1 = w_ref[:, :HALF]
    w2 = w_ref[:, HALF:]
    dn = (((1,), (1,)), ((), ()))
    miss_proj = lax.dot_general(miss_ref[...], w1, dn,
                                preferred_element_type=jnp.float32)
    mode_proj5 = lax.dot_general(mode_ref[...], w2, dn,
                                 preferred_element_type=jnp.float32)
    mode_proj = jnp.concatenate(
        [mode_proj5, jnp.zeros((MODE_PAD - 5, EMBED_DIM), jnp.float32)], 0)
    t3 = miss_proj[:, None, :] + mode_proj[None, :, :] + b_ref[...][None]
    t64 = t3.reshape(TABLE_ROWS, EMBED_DIM)
    out_ref[...] = jnp.concatenate(
        [t64, jnp.zeros((TABLE_ROWS, 128 - EMBED_DIM), jnp.float32)], 1)


def _build_table(missing_table, mode_table, W, b):
    return pl.pallas_call(
        _table_body,
        out_shape=jax.ShapeDtypeStruct((TABLE_ROWS, 128), jnp.float32),
    )(missing_table, mode_table, W, b.reshape(1, EMBED_DIM))


@functools.cache
def _make_sc_gather():
    mesh = plsc.VectorSubcoreMesh(core_axis_name="c", subcore_axis_name="s")

    @functools.partial(
        pl.kernel,
        mesh=mesh,
        compiler_params=pltpu.CompilerParams(use_tc_tiling_on_sc=False),
        out_type=jax.ShapeDtypeStruct((BATCH, 128), jnp.float32),
        scratch_types=[
            pltpu.VMEM((NG, 4, GCH), jnp.int32),
            pltpu.VMEM((BPW,), jnp.int32),
            pltpu.VMEM((NG, GCH), jnp.int32),
            pltpu.VMEM((BPW, EMBED_DIM), jnp.float32),
            pltpu.VMEM_SHARED((TABLE_ROWS, EMBED_DIM), jnp.float32),
            pltpu.SemaphoreType.DMA,
            pltpu.SemaphoreType.DMA,
        ],
    )
    def _sc_gather(maskb_hbm, mode_hbm, table_hbm, out_hbm,
                   mask_v, mode_v, idx_v, rows_v, table_s, ssem, gsem):
        sid = lax.axis_index("s")
        wid = sid * NC + lax.axis_index("c")
        base = wid * BPW

        @pl.when(sid == 0)
        def _():
            pltpu.sync_copy(table_hbm.at[:, pl.ds(0, EMBED_DIM)], table_s)

        stage = [
            pltpu.async_copy(maskb_hbm.at[pl.ds(wid * NG, NG)], mask_v, ssem),
            pltpu.async_copy(mode_hbm.at[pl.ds(base, BPW)], mode_v, ssem),
        ]
        for c in stage:
            c.wait()

        copies = []
        for g in range(NG):
            for i in range(GCH // L):
                off = i * L
                m0 = mask_v[g, 0, pl.ds(off, L)]
                m1 = mask_v[g, 1, pl.ds(off, L)]
                m2 = mask_v[g, 2, pl.ds(off, L)]
                m3 = mask_v[g, 3, pl.ds(off, L)]
                md = mode_v[pl.ds(g * GCH + off, L)]
                idx_v[g, pl.ds(off, L)] = (
                    m0 * 64 + m1 * 32 + m2 * 16 + m3 * 8 + md)
            if g == 0:
                plsc.subcore_barrier()
            copies.append(pltpu.async_copy(
                table_s.at[idx_v.at[g]], rows_v.at[pl.ds(g * GCH, GCH)],
                gsem))
        out_copies = []
        for g in range(NG):
            copies[g].wait()
            out_copies.append(pltpu.async_copy(
                rows_v.at[pl.ds(g * GCH, GCH)],
                out_hbm.at[pl.ds(base + g * GCH, GCH), pl.ds(0, EMBED_DIM)],
                ssem))
        for c in out_copies:
            c.wait()

    return _sc_gather


def kernel(missing_mask, mode_id, missing_table, mode_table, W, b):
    table = _build_table(missing_table, mode_table, W, b)
    mask32 = missing_mask.astype(jnp.int32)
    maskb = jnp.transpose(mask32.reshape(BATCH // GCH, GCH, 4), (0, 2, 1))
    mode32 = mode_id.astype(jnp.int32)
    out2 = _make_sc_gather()(maskb, mode32, table)
    return out2[:, :EMBED_DIM]

# --- scband reference (transcript-rebuilt; emitter-appended) ---
"""Pipeline reference for scband-clinical-prior-embedder-34918084116646 (READ-ONLY COPY).

The authoritative reference and input builder live on the scoring server;
editing this copy changes nothing except your own understanding.
"""

import jax, jax.numpy as jnp
import numpy as np

EMBED_DIM = 64
BATCH = 16384

def setup_inputs(seed: int = 0) -> dict:
    key = jax.random.key(seed)
    k1, k2, k3, k4, k5, k6 = jax.random.split(key, 6)
    missing_mask = jax.random.randint(k1, (BATCH, 4), 0, 2, dtype=jnp.int64)
    mode_id = jax.random.randint(k2, (BATCH,), 0, 5, dtype=jnp.int64)
    half = EMBED_DIM // 2
    missing_table = jax.random.normal(k3, (16, half), dtype=jnp.float32)
    mode_table = jax.random.normal(k4, (5, half), dtype=jnp.float32)
    W = jax.random.normal(k5, (EMBED_DIM, EMBED_DIM), dtype=jnp.float32) * (1.0 / np.sqrt(EMBED_DIM))
    b = jax.random.normal(k6, (EMBED_DIM,), dtype=jnp.float32) * 0.01
    return {"missing_mask": missing_mask, "mode_id": mode_id,
            "missing_table": missing_table, "mode_table": mode_table,
            "W": W, "b": b}

def reference(missing_mask, mode_id, missing_table, mode_table, W, b):
    miss_idx = (missing_mask[:, 0] * 8 + missing_mask[:, 1] * 4
                + missing_mask[:, 2] * 2 + missing_mask[:, 3] * 1).astype(jnp.int32)
    miss_emb = jnp.take(missing_table, miss_idx, axis=0)
    mode_emb = jnp.take(mode_table, mode_id, axis=0)
    emb = jnp.concatenate([miss_emb, mode_emb], axis=-1)
    return emb @ W.T + b

if __name__ == "__main__":
    import jax
    _d = setup_inputs()
    print(jax.jit(kernel)(*tuple(_d.values())))

</pallas_src>

<mosaic_0001>
#map = affine_map<(d0, d1) -> (0, 0, 0)>
#map1 = affine_map<(d0, d1) -> (0)>
#map2 = affine_map<(d0, d1) -> (0, 0)>
module attributes {stable_mosaic.version = 14 : i64} {
  func.func @_sc_gather(%arg0: i32, %arg1: i32, %arg2: memref<128x4x128xi32, #tpu.memory_space<hbm>>, %arg3: memref<16384xi32, #tpu.memory_space<hbm>>, %arg4: memref<128x128xf32, #tpu.memory_space<hbm>>, %arg5: memref<16384x128xf32, #tpu.memory_space<hbm>>, %arg6: memref<4x4x128xi32, #tpu.memory_space<vmem>>, %arg7: memref<512xi32, #tpu.memory_space<vmem>>, %arg8: memref<4x128xi32, #tpu.memory_space<vmem>>, %arg9: memref<512x64xf32, #tpu.memory_space<vmem>>, %arg10: memref<128x64xf32, #tpu.memory_space<vmem_shared>>, %arg11: memref<!tpu.dma_semaphore, #tpu.memory_space<semaphore_mem>>, %arg12: memref<!tpu.dma_semaphore, #tpu.memory_space<semaphore_mem>>) attributes {dimension_semantics = [#tpu.dimension_semantics<core_parallel>, #tpu.dimension_semantics<subcore_parallel>], iteration_bounds = array<i64: 2, 16>, scalar_prefetch = 0 : i64, scratch_operands = 7 : i64, tpu.core_type = #tpu.core_type<sc_vector_subcore>, window_params = [{transform_indices = #map}, {transform_indices = #map1}, {transform_indices = #map2}, {transform_indices = #map2}]} {
    %mul3A = arith.constant 2 : i32
    %mul3A_0 = arith.muli %arg1, %mul3A : i32
    %add3A = arith.addi %mul3A_0, %arg0 : i32
    %mul3A_1 = arith.constant 512 : i32
    %mul3A_2 = arith.muli %add3A, %mul3A_1 : i32
    %eq3A = arith.constant 0 : i32
    %eq3A_3 = arith.cmpi eq, %arg1, %eq3A : i32
    %convert_element_type3A = arith.extui %eq3A_3 : i1 to i32
    %cond3A = arith.constant 0 : i32
    %cond3A_4 = arith.cmpi ne, %convert_element_type3A, %cond3A : i32
    scf.if %cond3A_4 {
      "tpu.region"() ({
        %run_scoped3A = tpu.sem_alloc : memref<!tpu.dma_semaphore, #tpu.memory_space<semaphore_mem>>
        %dma_start3A_1883 = arith.constant 0 : i32
        %dma_start3A_1884 = arith.constant 0 : i32
        %dma_start3A_1885 = tpu.memref_slice %arg4[%dma_start3A_1883, %dma_start3A_1884] : memref<128x128xf32, #tpu.memory_space<hbm>> -> memref<128x64xf32, #tpu.memory_space<hbm>>
        tpu.enqueue_dma source(%dma_start3A_1885 : memref<128x64xf32, #tpu.memory_space<hbm>>) target(%arg10 : memref<128x64xf32, #tpu.memory_space<vmem_shared>>) target_semaphore(%run_scoped3A : memref<!tpu.dma_semaphore, #tpu.memory_space<semaphore_mem>>)
        %dma_wait3A_1886 = arith.constant 0 : i32
        %dma_wait3A_1887 = arith.constant 0 : i32
        %dma_wait3A_1888 = tpu.memref_slice %arg4[%dma_wait3A_1886, %dma_wait3A_1887] : memref<128x128xf32, #tpu.memory_space<hbm>> -> memref<128x64xf32, #tpu.memory_space<hbm>>
        tpu.wait_dma2 semaphore(%run_scoped3A : memref<!tpu.dma_semaphore, #tpu.memory_space<semaphore_mem>>) src(%dma_wait3A_1888 : memref<128x64xf32, #tpu.memory_space<hbm>>) dst(%arg10 : memref<128x64xf32, #tpu.memory_space<vmem_shared>>)
        tpu.yield
      }) : () -> ()
    } else {
    }
    %mul3A_5 = arith.constant 4 : i32
    %mul3A_6 = arith.muli %add3A, %mul3A_5 : i32
    %dma_start3A = arith.constant 0 : i32
    %dma_start3A_7 = arith.constant 0 : i32
    %dma_start3A_8 = tpu.memref_slice %arg2[%mul3A_6, %dma_start3A, %dma_start3A_7] : memref<128x4x128xi32, #tpu.memory_space<hbm>> -> memref<4x4x128xi32, #tpu.memory_space<hbm>>
    %dma_start3A_9 = arith.constant 0 : i32
    %dma_start3A_10 = arith.constant 0 : i32
    %dma_start3A_11 = tpu.memref_slice %arg2[%mul3A_6, %dma_start3A_9, %dma_start3A_10] : memref<128x4x128xi32, #tpu.memory_space<hbm>> -> memref<4x4x128xi32, #tpu.memory_space<hbm>>
    tpu.enqueue_dma source(%dma_start3A_11 : memref<4x4x128xi32, #tpu.memory_space<hbm>>) target(%arg6 : memref<4x4x128xi32, #tpu.memory_space<vmem>>) target_semaphore(%arg11 : memref<!tpu.dma_semaphore, #tpu.memory_space<semaphore_mem>>)
    %dma_start3A_12 = tpu.memref_slice %arg3[%mul3A_2] : memref<16384xi32, #tpu.memory_space<hbm>> -> memref<512xi32, #tpu.memory_space<hbm>>
    %dma_start3A_13 = tpu.memref_slice %arg3[%mul3A_2] : memref<16384xi32, #tpu.memory_space<hbm>> -> memref<512xi32, #tpu.memory_space<hbm>>
    tpu.enqueue_dma source(%dma_start3A_13 : memref<512xi32, #tpu.memory_space<hbm>>) target(%arg7 : memref<512xi32, #tpu.memory_space<vmem>>) target_semaphore(%arg11 : memref<!tpu.dma_semaphore, #tpu.memory_space<semaphore_mem>>)
    %dma_wait3A = arith.constant 0 : i32
    %dma_wait3A_14 = arith.constant 0 : i32
    %dma_wait3A_15 = tpu.memref_slice %arg2[%mul3A_6, %dma_wait3A, %dma_wait3A_14] : memref<128x4x128xi32, #tpu.memory_space<hbm>> -> memref<4x4x128xi32, #tpu.memory_space<hbm>>
    %dma_wait3A_16 = arith.constant 0 : i32
    %dma_wait3A_17 = arith.constant 0 : i32
    %dma_wait3A_18 = tpu.memref_slice %arg2[%mul3A_6, %dma_wait3A_16, %dma_wait3A_17] : memref<128x4x128xi32, #tpu.memory_space<hbm>> -> memref<4x4x128xi32, #tpu.memory_space<hbm>>
    tpu.wait_dma2 semaphore(%arg11 : memref<!tpu.dma_semaphore, #tpu.memory_space<semaphore_mem>>) src(%dma_wait3A_18 : memref<4x4x128xi32, #tpu.memory_space<hbm>>) dst(%arg6 : memref<4x4x128xi32, #tpu.memory_space<vmem>>)
    %dma_wait3A_19 = tpu.memref_slice %arg3[%mul3A_2] : memref<16384xi32, #tpu.memory_space<hbm>> -> memref<512xi32, #tpu.memory_space<hbm>>
    %dma_wait3A_20 = tpu.memref_slice %arg3[%mul3A_2] : memref<16384xi32, #tpu.memory_space<hbm>> -> memref<512xi32, #tpu.memory_space<hbm>>
    tpu.wait_dma2 semaphore(%arg11 : memref<!tpu.dma_semaphore, #tpu.memory_space<semaphore_mem>>) src(%dma_wait3A_20 : memref<512xi32, #tpu.memory_space<hbm>>) dst(%arg7 : memref<512xi32, #tpu.memory_space<vmem>>)
    %get3A = arith.constant 0 : i32
    %get3A_21 = arith.constant 0 : i32
    %get3A_22 = arith.index_cast %get3A : i32 to index
    %get3A_23 = arith.index_cast %get3A_21 : i32 to index
    %get3A_24 = arith.constant 0 : index
    %get3A_25 = tpu.vector_load %arg6[%get3A_22, %get3A_23, %get3A_24] {strides = array<i32>} : memref<4x4x128xi32, #tpu.memory_space<vmem>>, vector<1x1x16xi32>,
    %get3A_26 = vector.shape_cast %get3A_25 : vector<1x1x16xi32> to vector<16xi32>
    %get3A_27 = arith.constant 0 : i32
    %get3A_28 = arith.constant 1 : i32
    %get3A_29 = arith.index_cast %get3A_27 : i32 to index
    %get3A_30 = arith.index_cast %get3A_28 : i32 to index
    %get3A_31 = arith.constant 0 : index
    %get3A_32 = tpu.vector_load %arg6[%get3A_29, %get3A_30, %get3A_31] {strides = array<i32>} : memref<4x4x128xi32, #tpu.memory_space<vmem>>, vector<1x1x16xi32>,
    %get3A_33 = vector.shape_cast %get3A_32 : vector<1x1x16xi32> to vector<16xi32>
    %get3A_34 = arith.constant 0 : i32
    %get3A_35 = arith.constant 2 : i32
    %get3A_36 = arith.index_cast %get3A_34 : i32 to index
    %get3A_37 = arith.index_cast %get3A_35 : i32 to index
    %get3A_38 = arith.constant 0 : index
    %get3A_39 = tpu.vector_load %arg6[%get3A_36, %get3A_37, %get3A_38] {strides = array<i32>} : memref<4x4x128xi32, #tpu.memory_space<vmem>>, vector<1x1x16xi32>,
    %get3A_40 = vector.shape_cast %get3A_39 : vector<1x1x16xi32> to vector<16xi32>
    %get3A_41 = arith.constant 0 : i32
    %get3A_42 = arith.constant 3 : i32
    %get3A_43 = arith.index_cast %get3A_41 : i32 to index
    %get3A_44 = arith.index_cast %get3A_42 : i32 to index
    %get3A_45 = arith.constant 0 : index
    %get3A_46 = tpu.vector_load %arg6[%get3A_43, %get3A_44, %get3A_45] {strides = array<i32>} : memref<4x4x128xi32, #tpu.memory_space<vmem>>, vector<1x1x16xi32>,
    %get3A_47 = vector.shape_cast %get3A_46 : vector<1x1x16xi32> to vector<16xi32>
    %get3A_48 = arith.constant 0 : index
    %get3A_49 = tpu.vector_load %arg7[%get3A_48] {strides = array<i32>} : memref<512xi32, #tpu.memory_space<vmem>>, vector<16xi32>,
    %get3A_50 = vector.shape_cast %get3A_49 : vector<16xi32> to vector<16xi32>
    %mul3A_51 = arith.constant 64 : i32
    %mul3A_52 = vector.broadcast %mul3A_51 : i32 to vector<16xi32>
    %mul3A_53 = arith.muli %get3A_26, %mul3A_52 : vector<16xi32>
    %mul3A_54 = arith.constant 32 : i32
    %mul3A_55 = vector.broadcast %mul3A_54 : i32 to vector<16xi32>
    %mul3A_56 = arith.muli %get3A_33, %mul3A_55 : vector<16xi32>
    %add3A_57 = arith.addi %mul3A_53, %mul3A_56 : vector<16xi32>
    %mul3A_58 = arith.constant 16 : i32
    %mul3A_59 = vector.broadcast %mul3A_58 : i32 to vector<16xi32>
    %mul3A_60 = arith.muli %get3A_40, %mul3A_59 : vector<16xi32>
    %add3A_61 = arith.addi %add3A_57, %mul3A_60 : vector<16xi32>
    %mul3A_62 = arith.constant 8 : i32
    %mul3A_63 = vector.broadcast %mul3A_62 : i32 to vector<16xi32>
    %mul3A_64 = arith.muli %get3A_47, %mul3A_63 : vector<16xi32>
    %add3A_65 = arith.addi %add3A_61, %mul3A_64 : vector<16xi32>
    %add3A_66 = arith.addi %add3A_65, %get3A_50 : vector<16xi32>
    %swap3A = arith.constant 0 : i32
    %swap3A_67 = arith.index_cast %swap3A : i32 to index
    %swap3A_68 = arith.constant 0 : index
    %swap3A_69 = tpu.vector_load %arg8[%swap3A_67, %swap3A_68] {strides = array<i32>} : memref<4x128xi32, #tpu.memory_space<vmem>>, vector<1x16xi32>,
    %swap3A_70 = vector.shape_cast %swap3A_69 : vector<1x16xi32> to vector<16xi32>
    %swap3A_71 = vector.shape_cast %add3A_66 : vector<16xi32> to vector<1x16xi32>
    tpu.vector_store %arg8[%swap3A_67, %swap3A_68], %swap3A_71 {strides = array<i32>} : memref<4x128xi32, #tpu.memory_space<vmem>>, vector<1x16xi32>,
    %get3A_72 = arith.constant 0 : i32
    %get3A_73 = arith.constant 0 : i32
    %get3A_74 = arith.index_cast %get3A_72 : i32 to index
    %get3A_75 = arith.index_cast %get3A_73 : i32 to index
    %get3A_76 = arith.constant 16 : index
    %get3A_77 = tpu.vector_load %arg6[%get3A_74, %get3A_75, %get3A_76] {strides = array<i32>} : memref<4x4x128xi32, #tpu.memory_space<vmem>>, vector<1x1x16xi32>,
    %get3A_78 = vector.shape_cast %get3A_77 : vector<1x1x16xi32> to vector<16xi32>
    %get3A_79 = arith.constant 0 : i32
    %get3A_80 = arith.constant 1 : i32
    %get3A_81 = arith.index_cast %get3A_79 : i32 to index
    %get3A_82 = arith.index_cast %get3A_80 : i32 to index
    %get3A_83 = arith.constant 16 : index
    %get3A_84 = tpu.vector_load %arg6[%get3A_81, %get3A_82, %get3A_83] {strides = array<i32>} : memref<4x4x128xi32, #tpu.memory_space<vmem>>, vector<1x1x16xi32>,
    %get3A_85 = vector.shape_cast %get3A_84 : vector<1x1x16xi32> to vector<16xi32>
    %get3A_86 = arith.constant 0 : i32
    %get3A_87 = arith.constant 2 : i32
    %get3A_88 = arith.index_cast %get3A_86 : i32 to index
    %get3A_89 = arith.index_cast %get3A_87 : i32 to index
    %get3A_90 = arith.constant 16 : index
    %get3A_91 = tpu.vector_load %arg6[%get3A_88, %get3A_89, %get3A_90] {strides = array<i32>} : memref<4x4x128xi32, #tpu.memory_space<vmem>>, vector<1x1x16xi32>,
    %get3A_92 = vector.shape_cast %get3A_91 : vector<1x1x16xi32> to vector<16xi32>
    %get3A_93 = arith.constant 0 : i32
    %get3A_94 = arith.constant 3 : i32
    %get3A_95 = arith.index_cast %get3A_93 : i32 to index
    %get3A_96 = arith.index_cast %get3A_94 : i32 to index
    %get3A_97 = arith.constant 16 : index
    %get3A_98 = tpu.vector_load %arg6[%get3A_95, %get3A_96, %get3A_97] {strides = array<i32>} : memref<4x4x128xi32, #tpu.memory_space<vmem>>, vector<1x1x16xi32>,
    %get3A_99 = vector.shape_cast %get3A_98 : vector<1x1x16xi32> to vector<16xi32>
    %get3A_100 = arith.constant 16 : index
    %get3A_101 = tpu.vector_load %arg7[%get3A_100] {strides = array<i32>} : memref<512xi32, #tpu.memory_space<vmem>>, vector<16xi32>,
    %get3A_102 = vector.shape_cast %get3A_101 : vector<16xi32> to vector<16xi32>
    %mul3A_103 = arith.constant 64 : i32
    %mul3A_104 = vector.broadcast %mul3A_103 : i32 to vector<16xi32>
    %mul3A_105 = arith.muli %get3A_78, %mul3A_104 : vector<16xi32>
    %mul3A_106 = arith.constant 32 : i32
    %mul3A_107 = vector.broadcast %mul3A_106 : i32 to vector<16xi32>
    %mul3A_108 = arith.muli %get3A_85, %mul3A_107 : vector<16xi32>
    %add3A_109 = arith.addi %mul3A_105, %mul3A_108 : vector<16xi32>
    %mul3A_110 = arith.constant 16 : i32
    %mul3A_111 = vector.broadcast %mul3A_110 : i32 to vector<16xi32>
    %mul3A_112 = arith.muli %get3A_92, %mul3A_111 : vector<16xi32>
    %add3A_113 = arith.addi %add3A_109, %mul3A_112 : vector<16xi32>
    %mul3A_114 = arith.constant 8 : i32
    %mul3A_115 = vector.broadcast %mul3A_114 : i32 to vector<16xi32>
    %mul3A_116 = arith.muli %get3A_99, %mul3A_115 : vector<16xi32>
    %add3A_117 = arith.addi %add3A_113, %mul3A_116 : vector<16xi32>
    %add3A_118 = arith.addi %add3A_117, %get3A_102 : vector<16xi32>
    %swap3A_119 = arith.constant 0 : i32
    %swap3A_120 = arith.index_cast %swap3A_119 : i32 to index
    %swap3A_121 = arith.constant 16 : index
    %swap3A_122 = tpu.vector_load %arg8[%swap3A_120, %swap3A_121] {strides = array<i32>} : memref<4x128xi32, #tpu.memory_space<vmem>>, vector<1x16xi32>,
    %swap3A_123 = vector.shape_cast %swap3A_122 : vector<1x16xi32> to vector<16xi32>
    %swap3A_124 = vector.shape_cast %add3A_118 : vector<16xi32> to vector<1x16xi32>
    tpu.vector_store %arg8[%swap3A_120, %swap3A_121], %swap3A_124 {strides = array<i32>} : memref<4x128xi32, #tpu.memory_space<vmem>>, vector<1x16xi32>,
    %get3A_125 = arith.constant 0 : i32
    %get3A_126 = arith.constant 0 : i32
    %get3A_127 = arith.index_cast %get3A_125 : i32 to index
    %get3A_128 = arith.index_cast %get3A_126 : i32 to index
    %get3A_129 = arith.constant 32 : index
    %get3A_130 = tpu.vector_load %arg6[%get3A_127, %get3A_128, %get3A_129] {strides = array<i32>} : memref<4x4x128xi32, #tpu.memory_space<vmem>>, vector<1x1x16xi32>,
    %get3A_131 = vector.shape_cast %get3A_130 : vector<1x1x16xi32> to vector<16xi32>
    %get3A_132 = arith.constant 0 : i32
    %get3A_133 = arith.constant 1 : i32
    %get3A_134 = arith.index_cast %get3A_132 : i32 to index
    %get3A_135 = arith.index_cast %get3A_133 : i32 to index
    %get3A_136 = arith.constant 32 : index
    %get3A_137 = tpu.vector_load %arg6[%get3A_134, %get3A_135, %get3A_136] {strides = array<i32>} : memref<4x4x128xi32, #tpu.memory_space<vmem>>, vector<1x1x16xi32>,
    %get3A_138 = vector.shape_cast %get3A_137 : vector<1x1x16xi32> to vector<16xi32>
    %get3A_139 = arith.constant 0 : i32
    %get3A_140 = arith.constant 2 : i32
    %get3A_141 = arith.index_cast %get3A_139 : i32 to index
    %get3A_142 = arith.index_cast %get3A_140 : i32 to index
    %get3A_143 = arith.constant 32 : index
    %get3A_144 = tpu.vector_load %arg6[%get3A_141, %get3A_142, %get3A_143] {strides = array<i32>} : memref<4x4x128xi32, #tpu.memory_space<vmem>>, vector<1x1x16xi32>,
    %get3A_145 = vector.shape_cast %get3A_144 : vector<1x1x16xi32> to vector<16xi32>
    %get3A_146 = arith.constant 0 : i32
    %get3A_147 = arith.constant 3 : i32
    %get3A_148 = arith.index_cast %get3A_146 : i32 to index
    %get3A_149 = arith.index_cast %get3A_147 : i32 to index
    %get3A_150 = arith.constant 32 : index
    %get3A_151 = tpu.vector_load %arg6[%get3A_148, %get3A_149, %get3A_150] {strides = array<i32>} : memref<4x4x128xi32, #tpu.memory_space<vmem>>, vector<1x1x16xi32>,
    %get3A_152 = vector.shape_cast %get3A_151 : vector<1x1x16xi32> to vector<16xi32>
    %get3A_153 = arith.constant 32 : index
    %get3A_154 = tpu.vector_load %arg7[%get3A_153] {strides = array<i32>} : memref<512xi32, #tpu.memory_space<vmem>>, vector<16xi32>,
    %get3A_155 = vector.shape_cast %get3A_154 : vector<16xi32> to vector<16xi32>
    %mul3A_156 = arith.constant 64 : i32
    %mul3A_157 = vector.broadcast %mul3A_156 : i32 to vector<16xi32>
    %mul3A_158 = arith.muli %get3A_131, %mul3A_157 : vector<16xi32>
    %mul3A_159 = arith.constant 32 : i32
    %mul3A_160 = vector.broadcast %mul3A_159 : i32 to vector<16xi32>
    %mul3A_161 = arith.muli %get3A_138, %mul3A_160 : vector<16xi32>
    %add3A_162 = arith.addi %mul3A_158, %mul3A_161 : vector<16xi32>
    %mul3A_163 = arith.constant 16 : i32
    %mul3A_164 = vector.broadcast %mul3A_163 : i32 to vector<16xi32>
    %mul3A_165 = arith.muli %get3A_145, %mul3A_164 : vector<16xi32>
    %add3A_166 = arith.addi %add3A_162, %mul3A_165 : vector<16xi32>
    %mul3A_167 = arith.constant 8 : i32
    %mul3A_168 = vector.broadcast %mul3A_167 : i32 to vector<16xi32>
    %mul3A_169 = arith.muli %get3A_152, %mul3A_168 : vector<16xi32>
    %add3A_170 = arith.addi %add3A_166, %mul3A_169 : vector<16xi32>
    %add3A_171 = arith.addi %add3A_170, %get3A_155 : vector<16xi32>
    %swap3A_172 = arith.constant 0 : i32
    %swap3A_173 = arith.index_cast %swap3A_172 : i32 to index
    %swap3A_174 = arith.constant 32 : index
    %swap3A_175 = tpu.vector_load %arg8[%swap3A_173, %swap3A_174] {strides = array<i32>} : memref<4x128xi32, #tpu.memory_space<vmem>>, vector<1x16xi32>,
    %swap3A_176 = vector.shape_cast %swap3A_175 : vector<1x16xi32> to vector<16xi32>
    %swap3A_177 = vector.shape_cast %add3A_171 : vector<16xi32> to vector<1x16xi32>
    tpu.vector_store %arg8[%swap3A_173, %swap3A_174], %swap3A_177 {strides = array<i32>} : memref<4x128xi32, #tpu.memory_space<vmem>>, vector<1x16xi32>,
    %get3A_178 = arith.constant 0 : i32
    %get3A_179 = arith.constant 0 : i32
    %get3A_180 = arith.index_cast %get3A_178 : i32 to index
    %get3A_181 = arith.index_cast %get3A_179 : i32 to index
    %get3A_182 = arith.constant 48 : index
    %get3A_183 = tpu.vector_load %arg6[%get3A_180, %get3A_181, %get3A_182] {strides = array<i32>} : memref<4x4x128xi32, #tpu.memory_space<vmem>>, vector<1x1x16xi32>,
    %get3A_184 = vector.shape_cast %get3A_183 : vector<1x1x16xi32> to vector<16xi32>
    %get3A_185 = arith.constant 0 : i32
    %get3A_186 = arith.constant 1 : i32
    %get3A_187 = arith.index_cast %get3A_185 : i32 to index
    %get3A_188 = arith.index_cast %get3A_186 : i32 to index
    %get3A_189 = arith.constant 48 : index
    %get3A_190 = tpu.vector_load %arg6[%get3A_187, %get3A_188, %get3A_189] {strides = array<i32>} : memref<4x4x128xi32, #tpu.memory_space<vmem>>, vector<1x1x16xi32>,
    %get3A_191 = vector.shape_cast %get3A_190 : vector<1x1x16xi32> to vector<16xi32>
    %get3A_192 = arith.constant 0 : i32
    %get3A_193 = arith.constant 2 : i32
    %get3A_194 = arith.index_cast %get3A_192 : i32 to index
    %get3A_195 = arith.index_cast %get3A_193 : i32 to index
    %get3A_196 = arith.constant 48 : index
    %get3A_197 = tpu.vector_load %arg6[%get3A_194, %get3A_195, %get3A_196] {strides = array<i32>} : memref<4x4x128xi32, #tpu.memory_space<vmem>>, vector<1x1x16xi32>,
    %get3A_198 = vector.shape_cast %get3A_197 : vector<1x1x16xi32> to vector<16xi32>
    %get3A_199 = arith.constant 0 : i32
    %get3A_200 = arith.constant 3 : i32
    %get3A_201 = arith.index_cast %get3A_199 : i32 to index
    %get3A_202 = arith.index_cast %get3A_200 : i32 to index
    %get3A_203 = arith.constant 48 : index
    %get3A_204 = tpu.vector_load %arg6[%get3A_201, %get3A_202, %get3A_203] {strides = array<i32>} : memref<4x4x128xi32, #tpu.memory_space<vmem>>, vector<1x1x16xi32>,
    %get3A_205 = vector.shape_cast %get3A_204 : vector<1x1x16xi32> to vector<16xi32>
    %get3A_206 = arith.constant 48 : index
    %get3A_207 = tpu.vector_load %arg7[%get3A_206] {strides = array<i32>} : memref<512xi32, #tpu.memory_space<vmem>>, vector<16xi32>,
    %get3A_208 = vector.shape_cast %get3A_207 : vector<16xi32> to vector<16xi32>
    %mul3A_209 = arith.constant 64 : i32
    %mul3A_210 = vector.broadcast %mul3A_209 : i32 to vector<16xi32>
    %mul3A_211 = arith.muli %get3A_184, %mul3A_210 : vector<16xi32>
    %mul3A_212 = arith.constant 32 : i32
    %mul3A_213 = vector.broadcast %mul3A_212 : i32 to vector<16xi32>
    %mul3A_214 = arith.muli %get3A_191, %mul3A_213 : vector<16xi32>
    %add3A_215 = arith.addi %mul3A_211, %mul3A_214 : vector<16xi32>
    %mul3A_216 = arith.constant 16 : i32
    %mul3A_217 = vector.broadcast %mul3A_216 : i32 to vector<16xi32>
    %mul3A_218 = arith.muli %get3A_198, %mul3A_217 : vector<16xi32>
    %add3A_219 = arith.addi %add3A_215, %mul3A_218 : vector<16xi32>
    %mul3A_220 = arith.constant 8 : i32
    %mul3A_221 = vector.broadcast %mul3A_220 : i32 to vector<16xi32>
    %mul3A_222 = arith.muli %get3A_205, %mul3A_221 : vector<16xi32>
    %add3A_223 = arith.addi %add3A_219, %mul3A_222 : vector<16xi32>
    %add3A_224 = arith.addi %add3A_223, %get3A_208 : vector<16xi32>
    %swap3A_225 = arith.constant 0 : i32
    %swap3A_226 = arith.index_cast %swap3A_225 : i32 to index
    %swap3A_227 = arith.constant 48 : index
    %swap3A_228 = tpu.vector_load %arg8[%swap3A_226, %swap3A_227] {strides = array<i32>} : memref<4x128xi32, #tpu.memory_space<vmem>>, vector<1x16xi32>,
    %swap3A_229 = vector.shape_cast %swap3A_228 : vector<1x16xi32> to vector<16xi32>
    %swap3A_230 = vector.shape_cast %add3A_224 : vector<16xi32> to vector<1x16xi32>
    tpu.vector_store %arg8[%swap3A_226, %swap3A_227], %swap3A_230 {strides = array<i32>} : memref<4x128xi32, #tpu.memory_space<vmem>>, vector<1x16xi32>,
    %get3A_231 = arith.constant 0 : i32
    %get3A_232 = arith.constant 0 : i32
    %get3A_233 = arith.index_cast %get3A_231 : i32 to index
    %get3A_234 = arith.index_cast %get3A_232 : i32 to index
    %get3A_235 = arith.constant 64 : index
    %get3A_236 = tpu.vector_load %arg6[%get3A_233, %get3A_234, %get3A_235] {strides = array<i32>} : memref<4x4x128xi32, #tpu.memory_space<vmem>>, vector<1x1x16xi32>,
    %get3A_237 = vector.shape_cast %get3A_236 : vector<1x1x16xi32> to vector<16xi32>
    %get3A_238 = arith.constant 0 : i32
    %get3A_239 = arith.constant 1 : i32
    %get3A_240 = arith.index_cast %get3A_238 : i32 to index
    %get3A_241 = arith.index_cast %get3A_239 : i32 to index
    %get3A_242 = arith.constant 64 : index
    %get3A_243 = tpu.vector_load %arg6[%get3A_240, %get3A_241, %get3A_242] {strides = array<i32>} : memref<4x4x128xi32, #tpu.memory_space<vmem>>, vector<1x1x16xi32>,
    %get3A_244 = vector.shape_cast %get3A_243 : vector<1x1x16xi32> to vector<16xi32>
    %get3A_245 = arith.constant 0 : i32
    %get3A_246 = arith.constant 2 : i32
    %get3A_247 = arith.index_cast %get3A_245 : i32 to index
    %get3A_248 = arith.index_cast %get3A_246 : i32 to index
    %get3A_249 = arith.constant 64 : index
    %get3A_250 = tpu.vector_load %arg6[%get3A_247, %get3A_248, %get3A_249] {strides = array<i32>} : memref<4x4x128xi32, #tpu.memory_space<vmem>>, vector<1x1x16xi32>,
    %get3A_251 = vector.shape_cast %get3A_250 : vector<1x1x16xi32> to vector<16xi32>
    %get3A_252 = arith.constant 0 : i32
    %get3A_253 = arith.constant 3 : i32
    %get3A_254 = arith.index_cast %get3A_252 : i32 to index
    %get3A_255 = arith.index_cast %get3A_253 : i32 to index
    %get3A_256 = arith.constant 64 : index
    %get3A_257 = tpu.vector_load %arg6[%get3A_254, %get3A_255, %get3A_256] {strides = array<i32>} : memref<4x4x128xi32, #tpu.memory_space<vmem>>, vector<1x1x16xi32>,
    %get3A_258 = vector.shape_cast %get3A_257 : vector<1x1x16xi32> to vector<16xi32>
    %get3A_259 = arith.constant 64 : index
    %get3A_260 = tpu.vector_load %arg7[%get3A_259] {strides = array<i32>} : memref<512xi32, #tpu.memory_space<vmem>>, vector<16xi32>,
    %get3A_261 = vector.shape_cast %get3A_260 : vector<16xi32> to vector<16xi32>
    %mul3A_262 = arith.constant 64 : i32
    %mul3A_263 = vector.broadcast %mul3A_262 : i32 to vector<16xi32>
    %mul3A_264 = arith.muli %get3A_237, %mul3A_263 : vector<16xi32>
    %mul3A_265 = arith.constant 32 : i32
    %mul3A_266 = vector.broadcast %mul3A_265 : i32 to vector<16xi32>
    %mul3A_267 = arith.muli %get3A_244, %mul3A_266 : vector<16xi32>
    %add3A_268 = arith.addi %mul3A_264, %mul3A_267 : vector<16xi32>
    %mul3A_269 = arith.constant 16 : i32
    %mul3A_270 = vector.broadcast %mul3A_269 : i32 to vector<16xi32>
    %mul3A_271 = arith.muli %get3A_251, %mul3A_270 : vector<16xi32>
    %add3A_272 = arith.addi %add3A_268, %mul3A_271 : vector<16xi32>
    %mul3A_273 = arith.constant 8 : i32
    %mul3A_274 = vector.broadcast %mul3A_273 : i32 to vector<16xi32>
    %mul3A_275 = arith.muli %get3A_258, %mul3A_274 : vector<16xi32>
    %add3A_276 = arith.addi %add3A_272, %mul3A_275 : vector<16xi32>
    %add3A_277 = arith.addi %add3A_276, %get3A_261 : vector<16xi32>
    %swap3A_278 = arith.constant 0 : i32
    %swap3A_279 = arith.index_cast %swap3A_278 : i32 to index
    %swap3A_280 = arith.constant 64 : index
    %swap3A_281 = tpu.vector_load %arg8[%swap3A_279, %swap3A_280] {strides = array<i32>} : memref<4x128xi32, #tpu.memory_space<vmem>>, vector<1x16xi32>,
    %swap3A_282 = vector.shape_cast %swap3A_281 : vector<1x16xi32> to vector<16xi32>
    %swap3A_283 = vector.shape_cast %add3A_277 : vector<16xi32> to vector<1x16xi32>
    tpu.vector_store %arg8[%swap3A_279, %swap3A_280], %swap3A_283 {strides = array<i32>} : memref<4x128xi32, #tpu.memory_space<vmem>>, vector<1x16xi32>,
    %get3A_284 = arith.constant 0 : i32
    %get3A_285 = arith.constant 0 : i32
    %get3A_286 = arith.index_cast %get3A_284 : i32 to index
    %get3A_287 = arith.index_cast %get3A_285 : i32 to index
    %get3A_288 = arith.constant 80 : index
    %get3A_289 = tpu.vector_load %arg6[%get3A_286, %get3A_287, %get3A_288] {strides = array<i32>} : memref<4x4x128xi32, #tpu.memory_space<vmem>>, vector<1x1x16xi32>,
    %get3A_290 = vector.shape_cast %get3A_289 : vector<1x1x16xi32> to vector<16xi32>
    %get3A_291 = arith.constant 0 : i32
    %get3A_292 = arith.constant 1 : i32
    %get3A_293 = arith.index_cast %get3A_291 : i32 to index
    %get3A_294 = arith.index_cast %get3A_292 : i32 to index
    %get3A_295 = arith.constant 80 : index
    %get3A_296 = tpu.vector_load %arg6[%get3A_293, %get3A_294, %get3A_295] {strides = array<i32>} : memref<4x4x128xi32, #tpu.memory_space<vmem>>, vector<1x1x16xi32>,
    %get3A_297 = vector.shape_cast %get3A_296 : vector<1x1x16xi32> to vector<16xi32>
    %get3A_298 = arith.constant 0 : i32
    %get3A_299 = arith.constant 2 : i32
    %get3A_300 = arith.index_cast %get3A_298 : i32 to index
    %get3A_301 = arith.index_cast %get3A_299 : i32 to index
    %get3A_302 = arith.constant 80 : index
    %get3A_303 = tpu.vector_load %arg6[%get3A_300, %get3A_301, %get3A_302] {strides = array<i32>} : memref<4x4x128xi32, #tpu.memory_space<vmem>>, vector<1x1x16xi32>,
    %get3A_304 = vector.shape_cast %get3A_303 : vector<1x1x16xi32> to vector<16xi32>
    %get3A_305 = arith.constant 0 : i32
    %get3A_306 = arith.constant 3 : i32
    %get3A_307 = arith.index_cast %get3A_305 : i32 to index
    %get3A_308 = arith.index_cast %get3A_306 : i32 to index
    %get3A_309 = arith.constant 80 : index
    %get3A_310 = tpu.vector_load %arg6[%get3A_307, %get3A_308, %get3A_309] {strides = array<i32>} : memref<4x4x128xi32, #tpu.memory_space<vmem>>, vector<1x1x16xi32>,
    %get3A_311 = vector.shape_cast %get3A_310 : vector<1x1x16xi32> to vector<16xi32>
    %get3A_312 = arith.constant 80 : index
    %get3A_313 = tpu.vector_load %arg7[%get3A_312] {strides = array<i32>} : memref<512xi32, #tpu.memory_space<vmem>>, vector<16xi32>,
    %get3A_314 = vector.shape_cast %get3A_313 : vector<16xi32> to vector<16xi32>
    %mul3A_315 = arith.constant 64 : i32
    %mul3A_316 = vector.broadcast %mul3A_315 : i32 to vector<16xi32>
    %mul3A_317 = arith.muli %get3A_290, %mul3A_316 : vector<16xi32>
    %mul3A_318 = arith.constant 32 : i32
    %mul3A_319 = vector.broadcast %mul3A_318 : i32 to vector<16xi32>
    %mul3A_320 = arith.muli %get3A_297, %mul3A_319 : vector<16xi32>
    %add3A_321 = arith.addi %mul3A_317, %mul3A_320 : vector<16xi32>
    %mul3A_322 = arith.constant 16 : i32
    %mul3A_323 = vector.broadcast %mul3A_322 : i32 to vector<16xi32>
    %mul3A_324 = arith.muli %get3A_304, %mul3A_323 : vector<16xi32>
    %add3A_325 = arith.addi %add3A_321, %mul3A_324 : vector<16xi32>
    %mul3A_326 = arith.constant 8 : i32
    %mul3A_327 = vector.broadcast %mul3A_326 : i32 to vector<16xi32>
    %mul3A_328 = arith.muli %get3A_311, %mul3A_327 : vector<16xi32>
    %add3A_329 = arith.addi %add3A_325, %mul3A_328 : vector<16xi32>
    %add3A_330 = arith.addi %add3A_329, %get3A_314 : vector<16xi32>
    %swap3A_331 = arith.constant 0 : i32
    %swap3A_332 = arith.index_cast %swap3A_331 : i32 to index
    %swap3A_333 = arith.constant 80 : index
    %swap3A_334 = tpu.vector_load %arg8[%swap3A_332, %swap3A_333] {strides = array<i32>} : memref<4x128xi32, #tpu.memory_space<vmem>>, vector<1x16xi32>,
    %swap3A_335 = vector.shape_cast %swap3A_334 : vector<1x16xi32> to vector<16xi32>
    %swap3A_336 = vector.shape_cast %add3A_330 : vector<16xi32> to vector<1x16xi32>
    tpu.vector_store %arg8[%swap3A_332, %swap3A_333], %swap3A_336 {strides = array<i32>} : memref<4x128xi32, #tpu.memory_space<vmem>>, vector<1x16xi32>,
    %get3A_337 = arith.constant 0 : i32
    %get3A_338 = arith.constant 0 : i32
    %get3A_339 = arith.index_cast %get3A_337 : i32 to index
    %get3A_340 = arith.index_cast %get3A_338 : i32 to index
    %get3A_341 = arith.constant 96 : index
    %get3A_342 = tpu.vector_load %arg6[%get3A_339, %get3A_340, %get3A_341] {strides = array<i32>} : memref<4x4x128xi32, #tpu.memory_space<vmem>>, vector<1x1x16xi32>,
    %get3A_343 = vector.shape_cast %get3A_342 : vector<1x1x16xi32> to vector<16xi32>
    %get3A_344 = arith.constant 0 : i32
    %get3A_345 = arith.constant 1 : i32
    %get3A_346 = arith.index_cast %get3A_344 : i32 to index
    %get3A_347 = arith.index_cast %get3A_345 : i32 to index
    %get3A_348 = arith.constant 96 : index
    %get3A_349 = tpu.vector_load %arg6[%get3A_346, %get3A_347, %get3A_348] {strides = array<i32>} : memref<4x4x128xi32, #tpu.memory_space<vmem>>, vector<1x1x16xi32>,
    %get3A_350 = vector.shape_cast %get3A_349 : vector<1x1x16xi32> to vector<16xi32>
    %get3A_351 = arith.constant 0 : i32
    %get3A_352 = arith.constant 2 : i32
    %get3A_353 = arith.index_cast %get3A_351 : i32 to index
    %get3A_354 = arith.index_cast %get3A_352 : i32 to index
    %get3A_355 = arith.constant 96 : index
    %get3A_356 = tpu.vector_load %arg6[%get3A_353, %get3A_354, %get3A_355] {strides = array<i32>} : memref<4x4x128xi32, #tpu.memory_space<vmem>>, vector<1x1x16xi32>,
    %get3A_357 = vector.shape_cast %get3A_356 : vector<1x1x16xi32> to vector<16xi32>
    %get3A_358 = arith.constant 0 : i32
    %get3A_359 = arith.constant 3 : i32
    %get3A_360 = arith.index_cast %get3A_358 : i32 to index
    %get3A_361 = arith.index_cast %get3A_359 : i32 to index
    %get3A_362 = arith.constant 96 : index
    %get3A_363 = tpu.vector_load %arg6[%get3A_360, %get3A_361, %get3A_362] {strides = array<i32>} : memref<4x4x128xi32, #tpu.memory_space<vmem>>, vector<1x1x16xi32>,
    %get3A_364 = vector.shape_cast %get3A_363 : vector<1x1x16xi32> to vector<16xi32>
    %get3A_365 = arith.constant 96 : index
    %get3A_366 = tpu.vector_load %arg7[%get3A_365] {strides = array<i32>} : memref<512xi32, #tpu.memory_space<vmem>>, vector<16xi32>,
    %get3A_367 = vector.shape_cast %get3A_366 : vector<16xi32> to vector<16xi32>
    %mul3A_368 = arith.constant 64 : i32
    %mul3A_369 = vector.broadcast %mul3A_368 : i32 to vector<16xi32>
    %mul3A_370 = arith.muli %get3A_343, %mul3A_369 : vector<16xi32>
    %mul3A_371 = arith.constant 32 : i32
    %mul3A_372 = vector.broadcast %mul3A_371 : i32 to vector<16xi32>
    %mul3A_373 = arith.muli %get3A_350, %mul3A_372 : vector<16xi32>
    %add3A_374 = arith.addi %mul3A_370, %mul3A_373 : vector<16xi32>
    %mul3A_375 = arith.constant 16 : i32
    %mul3A_376 = vector.broadcast %mul3A_375 : i32 to vector<16xi32>
    %mul3A_377 = arith.muli %get3A_357, %mul3A_376 : vector<16xi32>
    %add3A_378 = arith.addi %add3A_374, %mul3A_377 : vector<16xi32>
    %mul3A_379 = arith.constant 8 : i32
    %mul3A_380 = vector.broadcast %mul3A_379 : i32 to vector<16xi32>
    %mul3A_381 = arith.muli %get3A_364, %mul3A_380 : vector<16xi32>
    %add3A_382 = arith.addi %add3A_378, %mul3A_381 : vector<16xi32>
    %add3A_383 = arith.addi %add3A_382, %get3A_367 : vector<16xi32>
    %swap3A_384 = arith.constant 0 : i32
    %swap3A_385 = arith.index_cast %swap3A_384 : i32 to index
    %swap3A_386 = arith.constant 96 : index
    %swap3A_387 = tpu.vector_load %arg8[%swap3A_385, %swap3A_386] {strides = array<i32>} : memref<4x128xi32, #tpu.memory_space<vmem>>, vector<1x16xi32>,
    %swap3A_388 = vector.shape_cast %swap3A_387 : vector<1x16xi32> to vector<16xi32>
    %swap3A_389 = vector.shape_cast %add3A_383 : vector<16xi32> to vector<1x16xi32>
    tpu.vector_store %arg8[%swap3A_385, %swap3A_386], %swap3A_389 {strides = array<i32>} : memref<4x128xi32, #tpu.memory_space<vmem>>, vector<1x16xi32>,
    %get3A_390 = arith.constant 0 : i32
    %get3A_391 = arith.constant 0 : i32
    %get3A_392 = arith.index_cast %get3A_390 : i32 to index
    %get3A_393 = arith.index_cast %get3A_391 : i32 to index
    %get3A_394 = arith.constant 112 : index
    %get3A_395 = tpu.vector_load %arg6[%get3A_392, %get3A_393, %get3A_394] {strides = array<i32>} : memref<4x4x128xi32, #tpu.memory_space<vmem>>, vector<1x1x16xi32>,
    %get3A_396 = vector.shape_cast %get3A_395 : vector<1x1x16xi32> to vector<16xi32>
    %get3A_397 = arith.constant 0 : i32
    %get3A_398 = arith.constant 1 : i32
    %get3A_399 = arith.index_cast %get3A_397 : i32 to index
    %get3A_400 = arith.index_cast %get3A_398 : i32 to index
    %get3A_401 = arith.constant 112 : index
    %get3A_402 = tpu.vector_load %arg6[%get3A_399, %get3A_400, %get3A_401] {strides = array<i32>} : memref<4x4x128xi32, #tpu.memory_space<vmem>>, vector<1x1x16xi32>,
    %get3A_403 = vector.shape_cast %get3A_402 : vector<1x1x16xi32> to vector<16xi32>
    %get3A_404 = arith.constant 0 : i32
    %get3A_405 = arith.constant 2 : i32
    %get3A_406 = arith.index_cast %get3A_404 : i32 to index
    %get3A_407 = arith.index_cast %get3A_405 : i32 to index
    %get3A_408 = arith.constant 112 : index
    %get3A_409 = tpu.vector_load %arg6[%get3A_406, %get3A_407, %get3A_408] {strides = array<i32>} : memref<4x4x128xi32, #tpu.memory_space<vmem>>, vector<1x1x16xi32>,
    %get3A_410 = vector.shape_cast %get3A_409 : vector<1x1x16xi32> to vector<16xi32>
    %get3A_411 = arith.constant 0 : i32
    %get3A_412 = arith.constant 3 : i32
    %get3A_413 = arith.index_cast %get3A_411 : i32 to index
    %get3A_414 = arith.index_cast %get3A_412 : i32 to index
    %get3A_415 = arith.constant 112 : index
    %get3A_416 = tpu.vector_load %arg6[%get3A_413, %get3A_414, %get3A_415] {strides = array<i32>} : memref<4x4x128xi32, #tpu.memory_space<vmem>>, vector<1x1x16xi32>,
    %get3A_417 = vector.shape_cast %get3A_416 : vector<1x1x16xi32> to vector<16xi32>
    %get3A_418 = arith.constant 112 : index
    %get3A_419 = tpu.vector_load %arg7[%get3A_418] {strides = array<i32>} : memref<512xi32, #tpu.memory_space<vmem>>, vector<16xi32>,
    %get3A_420 = vector.shape_cast %get3A_419 : vector<16xi32> to vector<16xi32>
    %mul3A_421 = arith.constant 64 : i32
    %mul3A_422 = vector.broadcast %mul3A_421 : i32 to vector<16xi32>
    %mul3A_423 = arith.muli %get3A_396, %mul3A_422 : vector<16xi32>
    %mul3A_424 = arith.constant 32 : i32
    %mul3A_425 = vector.broadcast %mul3A_424 : i32 to vector<16xi32>
    %mul3A_426 = arith.muli %get3A_403, %mul3A_425 : vector<16xi32>
    %add3A_427 = arith.addi %mul3A_423, %mul3A_426 : vector<16xi32>
    %mul3A_428 = arith.constant 16 : i32
    %mul3A_429 = vector.broadcast %mul3A_428 : i32 to vector<16xi32>
    %mul3A_430 = arith.muli %get3A_410, %mul3A_429 : vector<16xi32>
    %add3A_431 = arith.addi %add3A_427, %mul3A_430 : vector<16xi32>
    %mul3A_432 = arith.constant 8 : i32
    %mul3A_433 = vector.broadcast %mul3A_432 : i32 to vector<16xi32>
    %mul3A_434 = arith.muli %get3A_417, %mul3A_433 : vector<16xi32>
    %add3A_435 = arith.addi %add3A_431, %mul3A_434 : vector<16xi32>
    %add3A_436 = arith.addi %add3A_435, %get3A_420 : vector<16xi32>
    %swap3A_437 = arith.constant 0 : i32
    %swap3A_438 = arith.index_cast %swap3A_437 : i32 to index
    %swap3A_439 = arith.constant 112 : index
    %swap3A_440 = tpu.vector_load %arg8[%swap3A_438, %swap3A_439] {strides = array<i32>} : memref<4x128xi32, #tpu.memory_space<vmem>>, vector<1x16xi32>,
    %swap3A_441 = vector.shape_cast %swap3A_440 : vector<1x16xi32> to vector<16xi32>
    %swap3A_442 = vector.shape_cast %add3A_436 : vector<16xi32> to vector<1x16xi32>
    tpu.vector_store %arg8[%swap3A_438, %swap3A_439], %swap3A_442 {strides = array<i32>} : memref<4x128xi32, #tpu.memory_space<vmem>>, vector<1x16xi32>,
    %barrier3A = arith.constant 0 : index
    tpu.barrier barrier_id(%barrier3A)
    %dma_start3A_443 = arith.constant 0 : i32
    %dma_start3A_444 = arith.constant 0 : i32
    %dma_start3A_445 = arith.constant 0 : i32
    %dma_start3A_446 = tpu.memref_slice %arg9[%dma_start3A_444, %dma_start3A_445] : memref<512x64xf32, #tpu.memory_space<vmem>> -> memref<128x64xf32, #tpu.memory_space<vmem>>
    %dma_start3A_447 = arith.constant 0 : i32
    %dma_start3A_448 = tpu.memref_slice %arg8[%dma_start3A_443, %dma_start3A_447] : memref<4x128xi32, #tpu.memory_space<vmem>> -> memref<1x128xi32, #tpu.memory_space<vmem>>
    %dma_start3A_449 = tpu.memref_squeeze %dma_start3A_448 : memref<1x128xi32, #tpu.memory_space<vmem>> -> memref<128xi32, #tpu.memory_space<vmem>>
    %dma_start3A_450 = arith.constant 0 : i32
    %dma_start3A_451 = arith.constant 0 : i32
    %dma_start3A_452 = tpu.memref_slice %arg10[%dma_start3A_450, %dma_start3A_451] : memref<128x64xf32, #tpu.memory_space<vmem_shared>> -> memref<128x64xf32, #tpu.memory_space<vmem_shared>>
    tpu.enqueue_indirect_dma source(%dma_start3A_452 : memref<128x64xf32, #tpu.memory_space<vmem_shared>>) target(%dma_start3A_446 : memref<128x64xf32, #tpu.memory_space<vmem>>) offsets(%dma_start3A_449 : memref<128xi32, #tpu.memory_space<vmem>>) semaphore(%arg12 : memref<!tpu.dma_semaphore, #tpu.memory_space<semaphore_mem>>)
    %get3A_453 = arith.constant 1 : i32
    %get3A_454 = arith.constant 0 : i32
    %get3A_455 = arith.index_cast %get3A_453 : i32 to index
    %get3A_456 = arith.index_cast %get3A_454 : i32 to index
    %get3A_457 = arith.constant 0 : index
    %get3A_458 = tpu.vector_load %arg6[%get3A_455, %get3A_456, %get3A_457] {strides = array<i32>} : memref<4x4x128xi32, #tpu.memory_space<vmem>>, vector<1x1x16xi32>,
    %get3A_459 = vector.shape_cast %get3A_458 : vector<1x1x16xi32> to vector<16xi32>
    %get3A_460 = arith.constant 1 : i32
    %get3A_461 = arith.constant 1 : i32
    %get3A_462 = arith.index_cast %get3A_460 : i32 to index
    %get3A_463 = arith.index_cast %get3A_461 : i32 to index
    %get3A_464 = arith.constant 0 : index
    %get3A_465 = tpu.vector_load %arg6[%get3A_462, %get3A_463, %get3A_464] {strides = array<i32>} : memref<4x4x128xi32, #tpu.memory_space<vmem>>, vector<1x1x16xi32>,
    %get3A_466 = vector.shape_cast %get3A_465 : vector<1x1x16xi32> to vector<16xi32>
    %get3A_467 = arith.constant 1 : i32
    %get3A_468 = arith.constant 2 : i32
    %get3A_469 = arith.index_cast %get3A_467 : i32 to index
    %get3A_470 = arith.index_cast %get3A_468 : i32 to index
    %get3A_471 = arith.constant 0 : index
    %get3A_472 = tpu.vector_load %arg6[%get3A_469, %get3A_470, %get3A_471] {strides = array<i32>} : memref<4x4x128xi32, #tpu.memory_space<vmem>>, vector<1x1x16xi32>,
    %get3A_473 = vector.shape_cast %get3A_472 : vector<1x1x16xi32> to vector<16xi32>
    %get3A_474 = arith.constant 1 : i32
    %get3A_475 = arith.constant 3 : i32
    %get3A_476 = arith.index_cast %get3A_474 : i32 to index
    %get3A_477 = arith.index_cast %get3A_475 : i32 to index
    %get3A_478 = arith.constant 0 : index
    %get3A_479 = tpu.vector_load %arg6[%get3A_476, %get3A_477, %get3A_478] {strides = array<i32>} : memref<4x4x128xi32, #tpu.memory_space<vmem>>, vector<1x1x16xi32>,
    %get3A_480 = vector.shape_cast %get3A_479 : vector<1x1x16xi32> to vector<16xi32>
    %get3A_481 = arith.constant 128 : index
    %get3A_482 = tpu.vector_load %arg7[%get3A_481] {strides = array<i32>} : memref<512xi32, #tpu.memory_space<vmem>>, vector<16xi32>,
    %get3A_483 = vector.shape_cast %get3A_482 : vector<16xi32> to vector<16xi32>
    %mul3A_484 = arith.constant 64 : i32
    %mul3A_485 = vector.broadcast %mul3A_484 : i32 to vector<16xi32>
    %mul3A_486 = arith.muli %get3A_459, %mul3A_485 : vector<16xi32>
    %mul3A_487 = arith.constant 32 : i32
    %mul3A_488 = vector.broadcast %mul3A_487 : i32 to vector<16xi32>
    %mul3A_489 = arith.muli %get3A_466, %mul3A_488 : vector<16xi32>
    %add3A_490 = arith.addi %mul3A_486, %mul3A_489 : vector<16xi32>
    %mul3A_491 = arith.constant 16 : i32
    %mul3A_492 = vector.broadcast %mul3A_491 : i32 to vector<16xi32>
    %mul3A_493 = arith.muli %get3A_473, %mul3A_492 : vector<16xi32>
    %add3A_494 = arith.addi %add3A_490, %mul3A_493 : vector<16xi32>
    %mul3A_495 = arith.constant 8 : i32
    %mul3A_496 = vector.broadcast %mul3A_495 : i32 to vector<16xi32>
    %mul3A_497 = arith.muli %get3A_480, %mul3A_496 : vector<16xi32>
    %add3A_498 = arith.addi %add3A_494, %mul3A_497 : vector<16xi32>
    %add3A_499 = arith.addi %add3A_498, %get3A_483 : vector<16xi32>
    %swap3A_500 = arith.constant 1 : i32
    %swap3A_501 = arith.index_cast %swap3A_500 : i32 to index
    %swap3A_502 = arith.constant 0 : index
    %swap3A_503 = tpu.vector_load %arg8[%swap3A_501, %swap3A_502] {strides = array<i32>} : memref<4x128xi32, #tpu.memory_space<vmem>>, vector<1x16xi32>,
    %swap3A_504 = vector.shape_cast %swap3A_503 : vector<1x16xi32> to vector<16xi32>
    %swap3A_505 = vector.shape_cast %add3A_499 : vector<16xi32> to vector<1x16xi32>
    tpu.vector_store %arg8[%swap3A_501, %swap3A_502], %swap3A_505 {strides = array<i32>} : memref<4x128xi32, #tpu.memory_space<vmem>>, vector<1x16xi32>,
    %get3A_506 = arith.constant 1 : i32
    %get3A_507 = arith.constant 0 : i32
    %get3A_508 = arith.index_cast %get3A_506 : i32 to index
    %get3A_509 = arith.index_cast %get3A_507 : i32 to index
    %get3A_510 = arith.constant 16 : index
    %get3A_511 = tpu.vector_load %arg6[%get3A_508, %get3A_509, %get3A_510] {strides = array<i32>} : memref<4x4x128xi32, #tpu.memory_space<vmem>>, vector<1x1x16xi32>,
    %get3A_512 = vector.shape_cast %get3A_511 : vector<1x1x16xi32> to vector<16xi32>
    %get3A_513 = arith.constant 1 : i32
    %get3A_514 = arith.constant 1 : i32
    %get3A_515 = arith.index_cast %get3A_513 : i32 to index
    %get3A_516 = arith.index_cast %get3A_514 : i32 to index
    %get3A_517 = arith.constant 16 : index
    %get3A_518 = tpu.vector_load %arg6[%get3A_515, %get3A_516, %get3A_517] {strides = array<i32>} : memref<4x4x128xi32, #tpu.memory_space<vmem>>, vector<1x1x16xi32>,
    %get3A_519 = vector.shape_cast %get3A_518 : vector<1x1x16xi32> to vector<16xi32>
    %get3A_520 = arith.constant 1 : i32
    %get3A_521 = arith.constant 2 : i32
    %get3A_522 = arith.index_cast %get3A_520 : i32 to index
    %get3A_523 = arith.index_cast %get3A_521 : i32 to index
    %get3A_524 = arith.constant 16 : index
    %get3A_525 = tpu.vector_load %arg6[%get3A_522, %get3A_523, %get3A_524] {strides = array<i32>} : memref<4x4x128xi32, #tpu.memory_space<vmem>>, vector<1x1x16xi32>,
    %get3A_526 = vector.shape_cast %get3A_525 : vector<1x1x16xi32> to vector<16xi32>
    %get3A_527 = arith.constant 1 : i32
    %get3A_528 = arith.constant 3 : i32
    %get3A_529 = arith.index_cast %get3A_527 : i32 to index
    %get3A_530 = arith.index_cast %get3A_528 : i32 to index
    %get3A_531 = arith.constant 16 : index
    %get3A_532 = tpu.vector_load %arg6[%get3A_529, %get3A_530, %get3A_531] {strides = array<i32>} : memref<4x4x128xi32, #tpu.memory_space<vmem>>, vector<1x1x16xi32>,
    %get3A_533 = vector.shape_cast %get3A_532 : vector<1x1x16xi32> to vector<16xi32>
    %get3A_534 = arith.constant 144 : index
    %get3A_535 = tpu.vector_load %arg7[%get3A_534] {strides = array<i32>} : memref<512xi32, #tpu.memory_space<vmem>>, vector<16xi32>,
    %get3A_536 = vector.shape_cast %get3A_535 : vector<16xi32> to vector<16xi32>
    %mul3A_537 = arith.constant 64 : i32
    %mul3A_538 = vector.broadcast %mul3A_537 : i32 to vector<16xi32>
    %mul3A_539 = arith.muli %get3A_512, %mul3A_538 : vector<16xi32>
    %mul3A_540 = arith.constant 32 : i32
    %mul3A_541 = vector.broadcast %mul3A_540 : i32 to vector<16xi32>
    %mul3A_542 = arith.muli %get3A_519, %mul3A_541 : vector<16xi32>
    %add3A_543 = arith.addi %mul3A_539, %mul3A_542 : vector<16xi32>
    %mul3A_544 = arith.constant 16 : i32
    %mul3A_545 = vector.broadcast %mul3A_544 : i32 to vector<16xi32>
    %mul3A_546 = arith.muli %get3A_526, %mul3A_545 : vector<16xi32>
    %add3A_547 = arith.addi %add3A_543, %mul3A_546 : vector<16xi32>
    %mul3A_548 = arith.constant 8 : i32
    %mul3A_549 = vector.broadcast %mul3A_548 : i32 to vector<16xi32>
    %mul3A_550 = arith.muli %get3A_533, %mul3A_549 : vector<16xi32>
    %add3A_551 = arith.addi %add3A_547, %mul3A_550 : vector<16xi32>
    %add3A_552 = arith.addi %add3A_551, %get3A_536 : vector<16xi32>
    %swap3A_553 = arith.constant 1 : i32
    %swap3A_554 = arith.index_cast %swap3A_553 : i32 to index
    %swap3A_555 = arith.constant 16 : index
    %swap3A_556 = tpu.vector_load %arg8[%swap3A_554, %swap3A_555] {strides = array<i32>} : memref<4x128xi32, #tpu.memory_space<vmem>>, vector<1x16xi32>,
    %swap3A_557 = vector.shape_cast %swap3A_556 : vector<1x16xi32> to vector<16xi32>
    %swap3A_558 = vector.shape_cast %add3A_552 : vector<16xi32> to vector<1x16xi32>
    tpu.vector_store %arg8[%swap3A_554, %swap3A_555], %swap3A_558 {strides = array<i32>} : memref<4x128xi32, #tpu.memory_space<vmem>>, vector<1x16xi32>,
    %get3A_559 = arith.constant 1 : i32
    %get3A_560 = arith.constant 0 : i32
    %get3A_561 = arith.index_cast %get3A_559 : i32 to index
    %get3A_562 = arith.index_cast %get3A_560 : i32 to index
    %get3A_563 = arith.constant 32 : index
    %get3A_564 = tpu.vector_load %arg6[%get3A_561, %get3A_562, %get3A_563] {strides = array<i32>} : memref<4x4x128xi32, #tpu.memory_space<vmem>>, vector<1x1x16xi32>,
    %get3A_565 = vector.shape_cast %get3A_564 : vector<1x1x16xi32> to vector<16xi32>
    %get3A_566 = arith.constant 1 : i32
    %get3A_567 = arith.constant 1 : i32
    %get3A_568 = arith.index_cast %get3A_566 : i32 to index
    %get3A_569 = arith.index_cast %get3A_567 : i32 to index
    %get3A_570 = arith.constant 32 : index
    %get3A_571 = tpu.vector_load %arg6[%get3A_568, %get3A_569, %get3A_570] {strides = array<i32>} : memref<4x4x128xi32, #tpu.memory_space<vmem>>, vector<1x1x16xi32>,
    %get3A_572 = vector.shape_cast %get3A_571 : vector<1x1x16xi32> to vector<16xi32>
    %get3A_573 = arith.constant 1 : i32
    %get3A_574 = arith.constant 2 : i32
    %get3A_575 = arith.index_cast %get3A_573 : i32 to index
    %get3A_576 = arith.index_cast %get3A_574 : i32 to index
    %get3A_577 = arith.constant 32 : index
    %get3A_578 = tpu.vector_load %arg6[%get3A_575, %get3A_576, %get3A_577] {strides = array<i32>} : memref<4x4x128xi32, #tpu.memory_space<vmem>>, vector<1x1x16xi32>,
    %get3A_579 = vector.shape_cast %get3A_578 : vector<1x1x16xi32> to vector<16xi32>
    %get3A_580 = arith.constant 1 : i32
    %get3A_581 = arith.constant 3 : i32
    %get3A_582 = arith.index_cast %get3A_580 : i32 to index
    %get3A_583 = arith.index_cast %get3A_581 : i32 to index
    %get3A_584 = arith.constant 32 : index
    %get3A_585 = tpu.vector_load %arg6[%get3A_582, %get3A_583, %get3A_584] {strides = array<i32>} : memref<4x4x128xi32, #tpu.memory_space<vmem>>, vector<1x1x16xi32>,
    %get3A_586 = vector.shape_cast %get3A_585 : vector<1x1x16xi32> to vector<16xi32>
    %get3A_587 = arith.constant 160 : index
    %get3A_588 = tpu.vector_load %arg7[%get3A_587] {strides = array<i32>} : memref<512xi32, #tpu.memory_space<vmem>>, vector<16xi32>,
    %get3A_589 = vector.shape_cast %get3A_588 : vector<16xi32> to vector<16xi32>
    %mul3A_590 = arith.constant 64 : i32
    %mul3A_591 = vector.broadcast %mul3A_590 : i32 to vector<16xi32>
    %mul3A_592 = arith.muli %get3A_565, %mul3A_591 : vector<16xi32>
    %mul3A_593 = arith.constant 32 : i32
    %mul3A_594 = vector.broadcast %mul3A_593 : i32 to vector<16xi32>
    %mul3A_595 = arith.muli %get3A_572, %mul3A_594 : vector<16xi32>
    %add3A_596 = arith.addi %mul3A_592, %mul3A_595 : vector<16xi32>
    %mul3A_597 = arith.constant 16 : i32
    %mul3A_598 = vector.broadcast %mul3A_597 : i32 to vector<16xi32>
    %mul3A_599 = arith.muli %get3A_579, %mul3A_598 : vector<16xi32>
    %add3A_600 = arith.addi %add3A_596, %mul3A_599 : vector<16xi32>
    %mul3A_601 = arith.constant 8 : i32
    %mul3A_602 = vector.broadcast %mul3A_601 : i32 to vector<16xi32>
    %mul3A_603 = arith.muli %get3A_586, %mul3A_602 : vector<16xi32>
    %add3A_604 = arith.addi %add3A_600, %mul3A_603 : vector<16xi32>
    %add3A_605 = arith.addi %add3A_604, %get3A_589 : vector<16xi32>
    %swap3A_606 = arith.constant 1 : i32
    %swap3A_607 = arith.index_cast %swap3A_606 : i32 to index
    %swap3A_608 = arith.constant 32 : index
    %swap3A_609 = tpu.vector_load %arg8[%swap3A_607, %swap3A_608] {strides = array<i32>} : memref<4x128xi32, #tpu.memory_space<vmem>>, vector<1x16xi32>,
    %swap3A_610 = vector.shape_cast %swap3A_609 : vector<1x16xi32> to vector<16xi32>
    %swap3A_611 = vector.shape_cast %add3A_605 : vector<16xi32> to vector<1x16xi32>
    tpu.vector_store %arg8[%swap3A_607, %swap3A_608], %swap3A_611 {strides = array<i32>} : memref<4x128xi32, #tpu.memory_space<vmem>>, vector<1x16xi32>,
    %get3A_612 = arith.constant 1 : i32
    %get3A_613 = arith.constant 0 : i32
    %get3A_614 = arith.index_cast %get3A_612 : i32 to index
    %get3A_615 = arith.index_cast %get3A_613 : i32 to index
    %get3A_616 = arith.constant 48 : index
    %get3A_617 = tpu.vector_load %arg6[%get3A_614, %get3A_615, %get3A_616] {strides = array<i32>} : memref<4x4x128xi32, #tpu.memory_space<vmem>>, vector<1x1x16xi32>,
    %get3A_618 = vector.shape_cast %get3A_617 : vector<1x1x16xi32> to vector<16xi32>
    %get3A_619 = arith.constant 1 : i32
    %get3A_620 = arith.constant 1 : i32
    %get3A_621 = arith.index_cast %get3A_619 : i32 to index
    %get3A_622 = arith.index_cast %get3A_620 : i32 to index
    %get3A_623 = arith.constant 48 : index
    %get3A_624 = tpu.vector_load %arg6[%get3A_621, %get3A_622, %get3A_623] {strides = array<i32>} : memref<4x4x128xi32, #tpu.memory_space<vmem>>, vector<1x1x16xi32>,
    %get3A_625 = vector.shape_cast %get3A_624 : vector<1x1x16xi32> to vector<16xi32>
    %get3A_626 = arith.constant 1 : i32
    %get3A_627 = arith.constant 2 : i32
    %get3A_628 = arith.index_cast %get3A_626 : i32 to index
    %get3A_629 = arith.index_cast %get3A_627 : i32 to index
    %get3A_630 = arith.constant 48 : index
    %get3A_631 = tpu.vector_load %arg6[%get3A_628, %get3A_629, %get3A_630] {strides = array<i32>} : memref<4x4x128xi32, #tpu.memory_space<vmem>>, vector<1x1x16xi32>,
    %get3A_632 = vector.shape_cast %get3A_631 : vector<1x1x16xi32> to vector<16xi32>
    %get3A_633 = arith.constant 1 : i32
    %get3A_634 = arith.constant 3 : i32
    %get3A_635 = arith.index_cast %get3A_633 : i32 to index
    %get3A_636 = arith.index_cast %get3A_634 : i32 to index
    %get3A_637 = arith.constant 48 : index
    %get3A_638 = tpu.vector_load %arg6[%get3A_635, %get3A_636, %get3A_637] {strides = array<i32>} : memref<4x4x128xi32, #tpu.memory_space<vmem>>, vector<1x1x16xi32>,
    %get3A_639 = vector.shape_cast %get3A_638 : vector<1x1x16xi32> to vector<16xi32>
    %get3A_640 = arith.constant 176 : index
    %get3A_641 = tpu.vector_load %arg7[%get3A_640] {strides = array<i32>} : memref<512xi32, #tpu.memory_space<vmem>>, vector<16xi32>,
    %get3A_642 = vector.shape_cast %get3A_641 : vector<16xi32> to vector<16xi32>
    %mul3A_643 = arith.constant 64 : i32
    %mul3A_644 = vector.broadcast %mul3A_643 : i32 to vector<16xi32>
    %mul3A_645 = arith.muli %get3A_618, %mul3A_644 : vector<16xi32>
    %mul3A_646 = arith.constant 32 : i32
    %mul3A_647 = vector.broadcast %mul3A_646 : i32 to vector<16xi32>
    %mul3A_648 = arith.muli %get3A_625, %mul3A_647 : vector<16xi32>
    %add3A_649 = arith.addi %mul3A_645, %mul3A_648 : vector<16xi32>
    %mul3A_650 = arith.constant 16 : i32
    %mul3A_651 = vector.broadcast %mul3A_650 : i32 to vector<16xi32>
    %mul3A_652 = arith.muli %get3A_632, %mul3A_651 : vector<16xi32>
    %add3A_653 = arith.addi %add3A_649, %mul3A_652 : vector<16xi32>
    %mul3A_654 = arith.constant 8 : i32
    %mul3A_655 = vector.broadcast %mul3A_654 : i32 to vector<16xi32>
    %mul3A_656 = arith.muli %get3A_639, %mul3A_655 : vector<16xi32>
    %add3A_657 = arith.addi %add3A_653, %mul3A_656 : vector<16xi32>
    %add3A_658 = arith.addi %add3A_657, %get3A_642 : vector<16xi32>
    %swap3A_659 = arith.constant 1 : i32
    %swap3A_660 = arith.index_cast %swap3A_659 : i32 to index
    %swap3A_661 = arith.constant 48 : index
    %swap3A_662 = tpu.vector_load %arg8[%swap3A_660, %swap3A_661] {strides = array<i32>} : memref<4x128xi32, #tpu.memory_space<vmem>>, vector<1x16xi32>,
    %swap3A_663 = vector.shape_cast %swap3A_662 : vector<1x16xi32> to vector<16xi32>
    %swap3A_664 = vector.shape_cast %add3A_658 : vector<16xi32> to vector<1x16xi32>
    tpu.vector_store %arg8[%swap3A_660, %swap3A_661], %swap3A_664 {strides = array<i32>} : memref<4x128xi32, #tpu.memory_space<vmem>>, vector<1x16xi32>,
    %get3A_665 = arith.constant 1 : i32
    %get3A_666 = arith.constant 0 : i32
    %get3A_667 = arith.index_cast %get3A_665 : i32 to index
    %get3A_668 = arith.index_cast %get3A_666 : i32 to index
    %get3A_669 = arith.constant 64 : index
    %get3A_670 = tpu.vector_load %arg6[%get3A_667, %get3A_668, %get3A_669] {strides = array<i32>} : memref<4x4x128xi32, #tpu.memory_space<vmem>>, vector<1x1x16xi32>,
    %get3A_671 = vector.shape_cast %get3A_670 : vector<1x1x16xi32> to vector<16xi32>
    %get3A_672 = arith.constant 1 : i32
    %get3A_673 = arith.constant 1 : i32
    %get3A_674 = arith.index_cast %get3A_672 : i32 to index
    %get3A_675 = arith.index_cast %get3A_673 : i32 to index
    %get3A_676 = arith.constant 64 : index
    %get3A_677 = tpu.vector_load %arg6[%get3A_674, %get3A_675, %get3A_676] {strides = array<i32>} : memref<4x4x128xi32, #tpu.memory_space<vmem>>, vector<1x1x16xi32>,
    %get3A_678 = vector.shape_cast %get3A_677 : vector<1x1x16xi32> to vector<16xi32>
    %get3A_679 = arith.constant 1 : i32
    %get3A_680 = arith.constant 2 : i32
    %get3A_681 = arith.index_cast %get3A_679 : i32 to index
    %get3A_682 = arith.index_cast %get3A_680 : i32 to index
    %get3A_683 = arith.constant 64 : index
    %get3A_684 = tpu.vector_load %arg6[%get3A_681, %get3A_682, %get3A_683] {strides = array<i32>} : memref<4x4x128xi32, #tpu.memory_space<vmem>>, vector<1x1x16xi32>,
    %get3A_685 = vector.shape_cast %get3A_684 : vector<1x1x16xi32> to vector<16xi32>
    %get3A_686 = arith.constant 1 : i32
    %get3A_687 = arith.constant 3 : i32
    %get3A_688 = arith.index_cast %get3A_686 : i32 to index
    %get3A_689 = arith.index_cast %get3A_687 : i32 to index
    %get3A_690 = arith.constant 64 : index
    %get3A_691 = tpu.vector_load %arg6[%get3A_688, %get3A_689, %get3A_690] {strides = array<i32>} : memref<4x4x128xi32, #tpu.memory_space<vmem>>, vector<1x1x16xi32>,
    %get3A_692 = vector.shape_cast %get3A_691 : vector<1x1x16xi32> to vector<16xi32>
    %get3A_693 = arith.constant 192 : index
    %get3A_694 = tpu.vector_load %arg7[%get3A_693] {strides = array<i32>} : memref<512xi32, #tpu.memory_space<vmem>>, vector<16xi32>,
    %get3A_695 = vector.shape_cast %get3A_694 : vector<16xi32> to vector<16xi32>
    %mul3A_696 = arith.constant 64 : i32
    %mul3A_697 = vector.broadcast %mul3A_696 : i32 to vector<16xi32>
    %mul3A_698 = arith.muli %get3A_671, %mul3A_697 : vector<16xi32>
    %mul3A_699 = arith.constant 32 : i32
    %mul3A_700 = vector.broadcast %mul3A_699 : i32 to vector<16xi32>
    %mul3A_701 = arith.muli %get3A_678, %mul3A_700 : vector<16xi32>
    %add3A_702 = arith.addi %mul3A_698, %mul3A_701 : vector<16xi32>
    %mul3A_703 = arith.constant 16 : i32
    %mul3A_704 = vector.broadcast %mul3A_703 : i32 to vector<16xi32>
    %mul3A_705 = arith.muli %get3A_685, %mul3A_704 : vector<16xi32>
    %add3A_706 = arith.addi %add3A_702, %mul3A_705 : vector<16xi32>
    %mul3A_707 = arith.constant 8 : i32
    %mul3A_708 = vector.broadcast %mul3A_707 : i32 to vector<16xi32>
    %mul3A_709 = arith.muli %get3A_692, %mul3A_708 : vector<16xi32>
    %add3A_710 = arith.addi %add3A_706, %mul3A_709 : vector<16xi32>
    %add3A_711 = arith.addi %add3A_710, %get3A_695 : vector<16xi32>
    %swap3A_712 = arith.constant 1 : i32
    %swap3A_713 = arith.index_cast %swap3A_712 : i32 to index
    %swap3A_714 = arith.constant 64 : index
    %swap3A_715 = tpu.vector_load %arg8[%swap3A_713, %swap3A_714] {strides = array<i32>} : memref<4x128xi32, #tpu.memory_space<vmem>>, vector<1x16xi32>,
    %swap3A_716 = vector.shape_cast %swap3A_715 : vector<1x16xi32> to vector<16xi32>
    %swap3A_717 = vector.shape_cast %add3A_711 : vector<16xi32> to vector<1x16xi32>
    tpu.vector_store %arg8[%swap3A_713, %swap3A_714], %swap3A_717 {strides = array<i32>} : memref<4x128xi32, #tpu.memory_space<vmem>>, vector<1x16xi32>,
    %get3A_718 = arith.constant 1 : i32
    %get3A_719 = arith.constant 0 : i32
    %get3A_720 = arith.index_cast %get3A_718 : i32 to index
    %get3A_721 = arith.index_cast %get3A_719 : i32 to index
    %get3A_722 = arith.constant 80 : index
    %get3A_723 = tpu.vector_load %arg6[%get3A_720, %get3A_721, %get3A_722] {strides = array<i32>} : memref<4x4x128xi32, #tpu.memory_space<vmem>>, vector<1x1x16xi32>,
    %get3A_724 = vector.shape_cast %get3A_723 : vector<1x1x16xi32> to vector<16xi32>
    %get3A_725 = arith.constant 1 : i32
    %get3A_726 = arith.constant 1 : i32
    %get3A_727 = arith.index_cast %get3A_725 : i32 to index
    %get3A_728 = arith.index_cast %get3A_726 : i32 to index
    %get3A_729 = arith.constant 80 : index
    %get3A_730 = tpu.vector_load %arg6[%get3A_727, %get3A_728, %get3A_729] {strides = array<i32>} : memref<4x4x128xi32, #tpu.memory_space<vmem>>, vector<1x1x16xi32>,
    %get3A_731 = vector.shape_cast %get3A_730 : vector<1x1x16xi32> to vector<16xi32>
    %get3A_732 = arith.constant 1 : i32
    %get3A_733 = arith.constant 2 : i32
    %get3A_734 = arith.index_cast %get3A_732 : i32 to index
    %get3A_735 = arith.index_cast %get3A_733 : i32 to index
    %get3A_736 = arith.constant 80 : index
    %get3A_737 = tpu.vector_load %arg6[%get3A_734, %get3A_735, %get3A_736] {strides = array<i32>} : memref<4x4x128xi32, #tpu.memory_space<vmem>>, vector<1x1x16xi32>,
    %get3A_738 = vector.shape_cast %get3A_737 : vector<1x1x16xi32> to vector<16xi32>
    %get3A_739 = arith.constant 1 : i32
    %get3A_740 = arith.constant 3 : i32
    %get3A_741 = arith.index_cast %get3A_739 : i32 to index
    %get3A_742 = arith.index_cast %get3A_740 : i32 to index
    %get3A_743 = arith.constant 80 : index
    %get3A_744 = tpu.vector_load %arg6[%get3A_741, %get3A_742, %get3A_743] {strides = array<i32>} : memref<4x4x128xi32, #tpu.memory_space<vmem>>, vector<1x1x16xi32>,
    %get3A_745 = vector.shape_cast %get3A_744 : vector<1x1x16xi32> to vector<16xi32>
    %get3A_746 = arith.constant 208 : index
    %get3A_747 = tpu.vector_load %arg7[%get3A_746] {strides = array<i32>} : memref<512xi32, #tpu.memory_space<vmem>>, vector<16xi32>,
    %get3A_748 = vector.shape_cast %get3A_747 : vector<16xi32> to vector<16xi32>
    %mul3A_749 = arith.constant 64 : i32
    %mul3A_750 = vector.broadcast %mul3A_749 : i32 to vector<16xi32>
    %mul3A_751 = arith.muli %get3A_724, %mul3A_750 : vector<16xi32>
    %mul3A_752 = arith.constant 32 : i32
    %mul3A_753 = vector.broadcast %mul3A_752 : i32 to vector<16xi32>
    %mul3A_754 = arith.muli %get3A_731, %mul3A_753 : vector<16xi32>
    %add3A_755 = arith.addi %mul3A_751, %mul3A_754 : vector<16xi32>
    %mul3A_756 = arith.constant 16 : i32
    %mul3A_757 = vector.broadcast %mul3A_756 : i32 to vector<16xi32>
    %mul3A_758 = arith.muli %get3A_738, %mul3A_757 : vector<16xi32>
    %add3A_759 = arith.addi %add3A_755, %mul3A_758 : vector<16xi32>
    %mul3A_760 = arith.constant 8 : i32
    %mul3A_761 = vector.broadcast %mul3A_760 : i32 to vector<16xi32>
    %mul3A_762 = arith.muli %get3A_745, %mul3A_761 : vector<16xi32>
    %add3A_763 = arith.addi %add3A_759, %mul3A_762 : vector<16xi32>
    %add3A_764 = arith.addi %add3A_763, %get3A_748 : vector<16xi32>
    %swap3A_765 = arith.constant 1 : i32
    %swap3A_766 = arith.index_cast %swap3A_765 : i32 to index
    %swap3A_767 = arith.constant 80 : index
    %swap3A_768 = tpu.vector_load %arg8[%swap3A_766, %swap3A_767] {strides = array<i32>} : memref<4x128xi32, #tpu.memory_space<vmem>>, vector<1x16xi32>,
    %swap3A_769 = vector.shape_cast %swap3A_768 : vector<1x16xi32> to vector<16xi32>
    %swap3A_770 = vector.shape_cast %add3A_764 : vector<16xi32> to vector<1x16xi32>
    tpu.vector_store %arg8[%swap3A_766, %swap3A_767], %swap3A_770 {strides = array<i32>} : memref<4x128xi32, #tpu.memory_space<vmem>>, vector<1x16xi32>,
    %get3A_771 = arith.constant 1 : i32
    %get3A_772 = arith.constant 0 : i32
    %get3A_773 = arith.index_cast %get3A_771 : i32 to index
    %get3A_774 = arith.index_cast %get3A_772 : i32 to index
    %get3A_775 = arith.constant 96 : index
    %get3A_776 = tpu.vector_load %arg6[%get3A_773, %get3A_774, %get3A_775] {strides = array<i32>} : memref<4x4x128xi32, #tpu.memory_space<vmem>>, vector<1x1x16xi32>,
    %get3A_777 = vector.shape_cast %get3A_776 : vector<1x1x16xi32> to vector<16xi32>
    %get3A_778 = arith.constant 1 : i32
    %get3A_779 = arith.constant 1 : i32
    %get3A_780 = arith.index_cast %get3A_778 : i32 to index
    %get3A_781 = arith.index_cast %get3A_779 : i32 to index
    %get3A_782 = arith.constant 96 : index
    %get3A_783 = tpu.vector_load %arg6[%get3A_780, %get3A_781, %get3A_782] {strides = array<i32>} : memref<4x4x128xi32, #tpu.memory_space<vmem>>, vector<1x1x16xi32>,
    %get3A_784 = vector.shape_cast %get3A_783 : vector<1x1x16xi32> to vector<16xi32>
    %get3A_785 = arith.constant 1 : i32
    %get3A_786 = arith.constant 2 : i32
    %get3A_787 = arith.index_cast %get3A_785 : i32 to index
    %get3A_788 = arith.index_cast %get3A_786 : i32 to index
    %get3A_789 = arith.constant 96 : index
    %get3A_790 = tpu.vector_load %arg6[%get3A_787, %get3A_788, %get3A_789] {strides = array<i32>} : memref<4x4x128xi32, #tpu.memory_space<vmem>>, vector<1x1x16xi32>,
    %get3A_791 = vector.shape_cast %get3A_790 : vector<1x1x16xi32> to vector<16xi32>
    %get3A_792 = arith.constant 1 : i32
    %get3A_793 = arith.constant 3 : i32
    %get3A_794 = arith.index_cast %get3A_792 : i32 to index
    %get3A_795 = arith.index_cast %get3A_793 : i32 to index
    %get3A_796 = arith.constant 96 : index
    %get3A_797 = tpu.vector_load %arg6[%get3A_794, %get3A_795, %get3A_796] {strides = array<i32>} : memref<4x4x128xi32, #tpu.memory_space<vmem>>, vector<1x1x16xi32>,
    %get3A_798 = vector.shape_cast %get3A_797 : vector<1x1x16xi32> to vector<16xi32>
    %get3A_799 = arith.constant 224 : index
    %get3A_800 = tpu.vector_load %arg7[%get3A_799] {strides = array<i32>} : memref<512xi32, #tpu.memory_space<vmem>>, vector<16xi32>,
    %get3A_801 = vector.shape_cast %get3A_800 : vector<16xi32> to vector<16xi32>
    %mul3A_802 = arith.constant 64 : i32
    %mul3A_803 = vector.broadcast %mul3A_802 : i32 to vector<16xi32>
    %mul3A_804 = arith.muli %get3A_777, %mul3A_803 : vector<16xi32>
    %mul3A_805 = arith.constant 32 : i32
    %mul3A_806 = vector.broadcast %mul3A_805 : i32 to vector<16xi32>
    %mul3A_807 = arith.muli %get3A_784, %mul3A_806 : vector<16xi32>
    %add3A_808 = arith.addi %mul3A_804, %mul3A_807 : vector<16xi32>
    %mul3A_809 = arith.constant 16 : i32
    %mul3A_810 = vector.broadcast %mul3A_809 : i32 to vector<16xi32>
    %mul3A_811 = arith.muli %get3A_791, %mul3A_810 : vector<16xi32>
    %add3A_812 = arith.addi %add3A_808, %mul3A_811 : vector<16xi32>
    %mul3A_813 = arith.constant 8 : i32
    %mul3A_814 = vector.broadcast %mul3A_813 : i32 to vector<16xi32>
    %mul3A_815 = arith.muli %get3A_798, %mul3A_814 : vector<16xi32>
    %add3A_816 = arith.addi %add3A_812, %mul3A_815 : vector<16xi32>
    %add3A_817 = arith.addi %add3A_816, %get3A_801 : vector<16xi32>
    %swap3A_818 = arith.constant 1 : i32
    %swap3A_819 = arith.index_cast %swap3A_818 : i32 to index
    %swap3A_820 = arith.constant 96 : index
    %swap3A_821 = tpu.vector_load %arg8[%swap3A_819, %swap3A_820] {strides = array<i32>} : memref<4x128xi32, #tpu.memory_space<vmem>>, vector<1x16xi32>,
    %swap3A_822 = vector.shape_cast %swap3A_821 : vector<1x16xi32> to vector<16xi32>
    %swap3A_823 = vector.shape_cast %add3A_817 : vector<16xi32> to vector<1x16xi32>
    tpu.vector_store %arg8[%swap3A_819, %swap3A_820], %swap3A_823 {strides = array<i32>} : memref<4x128xi32, #tpu.memory_space<vmem>>, vector<1x16xi32>,
    %get3A_824 = arith.constant 1 : i32
    %get3A_825 = arith.constant 0 : i32
    %get3A_826 = arith.index_cast %get3A_824 : i32 to index
    %get3A_827 = arith.index_cast %get3A_825 : i32 to index
    %get3A_828 = arith.constant 112 : index
    %get3A_829 = tpu.vector_load %arg6[%get3A_826, %get3A_827, %get3A_828] {strides = array<i32>} : memref<4x4x128xi32, #tpu.memory_space<vmem>>, vector<1x1x16xi32>,
    %get3A_830 = vector.shape_cast %get3A_829 : vector<1x1x16xi32> to vector<16xi32>
    %get3A_831 = arith.constant 1 : i32
    %get3A_832 = arith.constant 1 : i32
    %get3A_833 = arith.index_cast %get3A_831 : i32 to index
    %get3A_834 = arith.index_cast %get3A_832 : i32 to index
    %get3A_835 = arith.constant 112 : index
    %get3A_836 = tpu.vector_load %arg6[%get3A_833, %get3A_834, %get3A_835] {strides = array<i32>} : memref<4x4x128xi32, #tpu.memory_space<vmem>>, vector<1x1x16xi32>,
    %get3A_837 = vector.shape_cast %get3A_836 : vector<1x1x16xi32> to vector<16xi32>
    %get3A_838 = arith.constant 1 : i32
    %get3A_839 = arith.constant 2 : i32
    %get3A_840 = arith.index_cast %get3A_838 : i32 to index
    %get3A_841 = arith.index_cast %get3A_839 : i32 to index
    %get3A_842 = arith.constant 112 : index
    %get3A_843 = tpu.vector_load %arg6[%get3A_840, %get3A_841, %get3A_842] {strides = array<i32>} : memref<4x4x128xi32, #tpu.memory_space<vmem>>, vector<1x1x16xi32>,
    %get3A_844 = vector.shape_cast %get3A_843 : vector<1x1x16xi32> to vector<16xi32>
    %get3A_845 = arith.constant 1 : i32
    %get3A_846 = arith.constant 3 : i32
    %get3A_847 = arith.index_cast %get3A_845 : i32 to index
    %get3A_848 = arith.index_cast %get3A_846 : i32 to index
    %get3A_849 = arith.constant 112 : index
    %get3A_850 = tpu.vector_load %arg6[%get3A_847, %get3A_848, %get3A_849] {strides = array<i32>} : memref<4x4x128xi32, #tpu.memory_space<vmem>>, vector<1x1x16xi32>,
    %get3A_851 = vector.shape_cast %get3A_850 : vector<1x1x16xi32> to vector<16xi32>
    %get3A_852 = arith.constant 240 : index
    %get3A_853 = tpu.vector_load %arg7[%get3A_852] {strides = array<i32>} : memref<512xi32, #tpu.memory_space<vmem>>, vector<16xi32>,
    %get3A_854 = vector.shape_cast %get3A_853 : vector<16xi32> to vector<16xi32>
    %mul3A_855 = arith.constant 64 : i32
    %mul3A_856 = vector.broadcast %mul3A_855 : i32 to vector<16xi32>
    %mul3A_857 = arith.muli %get3A_830, %mul3A_856 : vector<16xi32>
    %mul3A_858 = arith.constant 32 : i32
    %mul3A_859 = vector.broadcast %mul3A_858 : i32 to vector<16xi32>
    %mul3A_860 = arith.muli %get3A_837, %mul3A_859 : vector<16xi32>
    %add3A_861 = arith.addi %mul3A_857, %mul3A_860 : vector<16xi32>
    %mul3A_862 = arith.constant 16 : i32
    %mul3A_863 = vector.broadcast %mul3A_862 : i32 to vector<16xi32>
    %mul3A_864 = arith.muli %get3A_844, %mul3A_863 : vector<16xi32>
    %add3A_865 = arith.addi %add3A_861, %mul3A_864 : vector<16xi32>
    %mul3A_866 = arith.constant 8 : i32
    %mul3A_867 = vector.broadcast %mul3A_866 : i32 to vector<16xi32>
    %mul3A_868 = arith.muli %get3A_851, %mul3A_867 : vector<16xi32>
    %add3A_869 = arith.addi %add3A_865, %mul3A_868 : vector<16xi32>
    %add3A_870 = arith.addi %add3A_869, %get3A_854 : vector<16xi32>
    %swap3A_871 = arith.constant 1 : i32
    %swap3A_872 = arith.index_cast %swap3A_871 : i32 to index
    %swap3A_873 = arith.constant 112 : index
    %swap3A_874 = tpu.vector_load %arg8[%swap3A_872, %swap3A_873] {strides = array<i32>} : memref<4x128xi32, #tpu.memory_space<vmem>>, vector<1x16xi32>,
    %swap3A_875 = vector.shape_cast %swap3A_874 : vector<1x16xi32> to vector<16xi32>
    %swap3A_876 = vector.shape_cast %add3A_870 : vector<16xi32> to vector<1x16xi32>
    tpu.vector_store %arg8[%swap3A_872, %swap3A_873], %swap3A_876 {strides = array<i32>} : memref<4x128xi32, #tpu.memory_space<vmem>>, vector<1x16xi32>,
    %dma_start3A_877 = arith.constant 1 : i32
    %dma_start3A_878 = arith.constant 128 : i32
    %dma_start3A_879 = arith.constant 0 : i32
    %dma_start3A_880 = tpu.memref_slice %arg9[%dma_start3A_878, %dma_start3A_879] : memref<512x64xf32, #tpu.memory_space<vmem>> -> memref<128x64xf32, #tpu.memory_space<vmem>>
    %dma_start3A_881 = arith.constant 0 : i32
    %dma_start3A_882 = tpu.memref_slice %arg8[%dma_start3A_877, %dma_start3A_881] : memref<4x128xi32, #tpu.memory_space<vmem>> -> memref<1x128xi32, #tpu.memory_space<vmem>>
    %dma_start3A_883 = tpu.memref_squeeze %dma_start3A_882 : memref<1x128xi32, #tpu.memory_space<vmem>> -> memref<128xi32, #tpu.memory_space<vmem>>
    %dma_start3A_884 = arith.constant 0 : i32
    %dma_start3A_885 = arith.constant 0 : i32
    %dma_start3A_886 = tpu.memref_slice %arg10[%dma_start3A_884, %dma_start3A_885] : memref<128x64xf32, #tpu.memory_space<vmem_shared>> -> memref<128x64xf32, #tpu.memory_space<vmem_shared>>
    tpu.enqueue_indirect_dma source(%dma_start3A_886 : memref<128x64xf32, #tpu.memory_space<vmem_shared>>) target(%dma_start3A_880 : memref<128x64xf32, #tpu.memory_space<vmem>>) offsets(%dma_start3A_883 : memref<128xi32, #tpu.memory_space<vmem>>) semaphore(%arg12 : memref<!tpu.dma_semaphore, #tpu.memory_space<semaphore_mem>>)
    %get3A_887 = arith.constant 2 : i32
    %get3A_888 = arith.constant 0 : i32
    %get3A_889 = arith.index_cast %get3A_887 : i32 to index
    %get3A_890 = arith.index_cast %get3A_888 : i32 to index
    %get3A_891 = arith.constant 0 : index
    %get3A_892 = tpu.vector_load %arg6[%get3A_889, %get3A_890, %get3A_891] {strides = array<i32>} : memref<4x4x128xi32, #tpu.memory_space<vmem>>, vector<1x1x16xi32>,
    %get3A_893 = vector.shape_cast %get3A_892 : vector<1x1x16xi32> to vector<16xi32>
    %get3A_894 = arith.constant 2 : i32
    %get3A_895 = arith.constant 1 : i32
    %get3A_896 = arith.index_cast %get3A_894 : i32 to index
    %get3A_897 = arith.index_cast %get3A_895 : i32 to index
    %get3A_898 = arith.constant 0 : index
    %get3A_899 = tpu.vector_load %arg6[%get3A_896, %get3A_897, %get3A_898] {strides = array<i32>} : memref<4x4x128xi32, #tpu.memory_space<vmem>>, vector<1x1x16xi32>,
    %get3A_900 = vector.shape_cast %get3A_899 : vector<1x1x16xi32> to vector<16xi32>
    %get3A_901 = arith.constant 2 : i32
    %get3A_902 = arith.constant 2 : i32
    %get3A_903 = arith.index_cast %get3A_901 : i32 to index
    %get3A_904 = arith.index_cast %get3A_902 : i32 to index
    %get3A_905 = arith.constant 0 : index
    %get3A_906 = tpu.vector_load %arg6[%get3A_903, %get3A_904, %get3A_905] {strides = array<i32>} : memref<4x4x128xi32, #tpu.memory_space<vmem>>, vector<1x1x16xi32>,
    %get3A_907 = vector.shape_cast %get3A_906 : vector<1x1x16xi32> to vector<16xi32>
    %get3A_908 = arith.constant 2 : i32
    %get3A_909 = arith.constant 3 : i32
    %get3A_910 = arith.index_cast %get3A_908 : i32 to index
    %get3A_911 = arith.index_cast %get3A_909 : i32 to index
    %get3A_912 = arith.constant 0 : index
    %get3A_913 = tpu.vector_load %arg6[%get3A_910, %get3A_911, %get3A_912] {strides = array<i32>} : memref<4x4x128xi32, #tpu.memory_space<vmem>>, vector<1x1x16xi32>,
    %get3A_914 = vector.shape_cast %get3A_913 : vector<1x1x16xi32> to vector<16xi32>
    %get3A_915 = arith.constant 256 : index
    %get3A_916 = tpu.vector_load %arg7[%get3A_915] {strides = array<i32>} : memref<512xi32, #tpu.memory_space<vmem>>, vector<16xi32>,
    %get3A_917 = vector.shape_cast %get3A_916 : vector<16xi32> to vector<16xi32>
    %mul3A_918 = arith.constant 64 : i32
    %mul3A_919 = vector.broadcast %mul3A_918 : i32 to vector<16xi32>
    %mul3A_920 = arith.muli %get3A_893, %mul3A_919 : vector<16xi32>
    %mul3A_921 = arith.constant 32 : i32
    %mul3A_922 = vector.broadcast %mul3A_921 : i32 to vector<16xi32>
    %mul3A_923 = arith.muli %get3A_900, %mul3A_922 : vector<16xi32>
    %add3A_924 = arith.addi %mul3A_920, %mul3A_923 : vector<16xi32>
    %mul3A_925 = arith.constant 16 : i32
    %mul3A_926 = vector.broadcast %mul3A_925 : i32 to vector<16xi32>
    %mul3A_927 = arith.muli %get3A_907, %mul3A_926 : vector<16xi32>
    %add3A_928 = arith.addi %add3A_924, %mul3A_927 : vector<16xi32>
    %mul3A_929 = arith.constant 8 : i32
    %mul3A_930 = vector.broadcast %mul3A_929 : i32 to vector<16xi32>
    %mul3A_931 = arith.muli %get3A_914, %mul3A_930 : vector<16xi32>
    %add3A_932 = arith.addi %add3A_928, %mul3A_931 : vector<16xi32>
    %add3A_933 = arith.addi %add3A_932, %get3A_917 : vector<16xi32>
    %swap3A_934 = arith.constant 2 : i32
    %swap3A_935 = arith.index_cast %swap3A_934 : i32 to index
    %swap3A_936 = arith.constant 0 : index
    %swap3A_937 = tpu.vector_load %arg8[%swap3A_935, %swap3A_936] {strides = array<i32>} : memref<4x128xi32, #tpu.memory_space<vmem>>, vector<1x16xi32>,
    %swap3A_938 = vector.shape_cast %swap3A_937 : vector<1x16xi32> to vector<16xi32>
    %swap3A_939 = vector.shape_cast %add3A_933 : vector<16xi32> to vector<1x16xi32>
    tpu.vector_store %arg8[%swap3A_935, %swap3A_936], %swap3A_939 {strides = array<i32>} : memref<4x128xi32, #tpu.memory_space<vmem>>, vector<1x16xi32>,
    %get3A_940 = arith.constant 2 : i32
    %get3A_941 = arith.constant 0 : i32
    %get3A_942 = arith.index_cast %get3A_940 : i32 to index
    %get3A_943 = arith.index_cast %get3A_941 : i32 to index
    %get3A_944 = arith.constant 16 : index
    %get3A_945 = tpu.vector_load %arg6[%get3A_942, %get3A_943, %get3A_944] {strides = array<i32>} : memref<4x4x128xi32, #tpu.memory_space<vmem>>, vector<1x1x16xi32>,
    %get3A_946 = vector.shape_cast %get3A_945 : vector<1x1x16xi32> to vector<16xi32>
    %get3A_947 = arith.constant 2 : i32
    %get3A_948 = arith.constant 1 : i32
    %get3A_949 = arith.index_cast %get3A_947 : i32 to index
    %get3A_950 = arith.index_cast %get3A_948 : i32 to index
    %get3A_951 = arith.constant 16 : index
    %get3A_952 = tpu.vector_load %arg6[%get3A_949, %get3A_950, %get3A_951] {strides = array<i32>} : memref<4x4x128xi32, #tpu.memory_space<vmem>>, vector<1x1x16xi32>,
    %get3A_953 = vector.shape_cast %get3A_952 : vector<1x1x16xi32> to vector<16xi32>
    %get3A_954 = arith.constant 2 : i32
    %get3A_955 = arith.constant 2 : i32
    %get3A_956 = arith.index_cast %get3A_954 : i32 to index
    %get3A_957 = arith.index_cast %get3A_955 : i32 to index
    %get3A_958 = arith.constant 16 : index
    %get3A_959 = tpu.vector_load %arg6[%get3A_956, %get3A_957, %get3A_958] {strides = array<i32>} : memref<4x4x128xi32, #tpu.memory_space<vmem>>, vector<1x1x16xi32>,
    %get3A_960 = vector.shape_cast %get3A_959 : vector<1x1x16xi32> to vector<16xi32>
    %get3A_961 = arith.constant 2 : i32
    %get3A_962 = arith.constant 3 : i32
    %get3A_963 = arith.index_cast %get3A_961 : i32 to index
    %get3A_964 = arith.index_cast %get3A_962 : i32 to index
    %get3A_965 = arith.constant 16 : index
    %get3A_966 = tpu.vector_load %arg6[%get3A_963, %get3A_964, %get3A_965] {strides = array<i32>} : memref<4x4x128xi32, #tpu.memory_space<vmem>>, vector<1x1x16xi32>,
    %get3A_967 = vector.shape_cast %get3A_966 : vector<1x1x16xi32> to vector<16xi32>
    %get3A_968 = arith.constant 272 : index
    %get3A_969 = tpu.vector_load %arg7[%get3A_968] {strides = array<i32>} : memref<512xi32, #tpu.memory_space<vmem>>, vector<16xi32>,
    %get3A_970 = vector.shape_cast %get3A_969 : vector<16xi32> to vector<16xi32>
    %mul3A_971 = arith.constant 64 : i32
    %mul3A_972 = vector.broadcast %mul3A_971 : i32 to vector<16xi32>
    %mul3A_973 = arith.muli %get3A_946, %mul3A_972 : vector<16xi32>
    %mul3A_974 = arith.constant 32 : i32
    %mul3A_975 = vector.broadcast %mul3A_974 : i32 to vector<16xi32>
    %mul3A_976 = arith.muli %get3A_953, %mul3A_975 : vector<16xi32>
    %add3A_977 = arith.addi %mul3A_973, %mul3A_976 : vector<16xi32>
    %mul3A_978 = arith.constant 16 : i32
    %mul3A_979 = vector.broadcast %mul3A_978 : i32 to vector<16xi32>
    %mul3A_980 = arith.muli %get3A_960, %mul3A_979 : vector<16xi32>
    %add3A_981 = arith.addi %add3A_977, %mul3A_980 : vector<16xi32>
    %mul3A_982 = arith.constant 8 : i32
    %mul3A_983 = vector.broadcast %mul3A_982 : i32 to vector<16xi32>
    %mul3A_984 = arith.muli %get3A_967, %mul3A_983 : vector<16xi32>
    %add3A_985 = arith.addi %add3A_981, %mul3A_984 : vector<16xi32>
    %add3A_986 = arith.addi %add3A_985, %get3A_970 : vector<16xi32>
    %swap3A_987 = arith.constant 2 : i32
    %swap3A_988 = arith.index_cast %swap3A_987 : i32 to index
    %swap3A_989 = arith.constant 16 : index
    %swap3A_990 = tpu.vector_load %arg8[%swap3A_988, %swap3A_989] {strides = array<i32>} : memref<4x128xi32, #tpu.memory_space<vmem>>, vector<1x16xi32>,
    %swap3A_991 = vector.shape_cast %swap3A_990 : vector<1x16xi32> to vector<16xi32>
    %swap3A_992 = vector.shape_cast %add3A_986 : vector<16xi32> to vector<1x16xi32>
    tpu.vector_store %arg8[%swap3A_988, %swap3A_989], %swap3A_992 {strides = array<i32>} : memref<4x128xi32, #tpu.memory_space<vmem>>, vector<1x16xi32>,
    %get3A_993 = arith.constant 2 : i32
    %get3A_994 = arith.constant 0 : i32
    %get3A_995 = arith.index_cast %get3A_993 : i32 to index
    %get3A_996 = arith.index_cast %get3A_994 : i32 to index
    %get3A_997 = arith.constant 32 : index
    %get3A_998 = tpu.vector_load %arg6[%get3A_995, %get3A_996, %get3A_997] {strides = array<i32>} : memref<4x4x128xi32, #tpu.memory_space<vmem>>, vector<1x1x16xi32>,
    %get3A_999 = vector.shape_cast %get3A_998 : vector<1x1x16xi32> to vector<16xi32>
    %get3A_1000 = arith.constant 2 : i32
    %get3A_1001 = arith.constant 1 : i32
    %get3A_1002 = arith.index_cast %get3A_1000 : i32 to index
    %get3A_1003 = arith.index_cast %get3A_1001 : i32 to index
    %get3A_1004 = arith.constant 32 : index
    %get3A_1005 = tpu.vector_load %arg6[%get3A_1002, %get3A_1003, %get3A_1004] {strides = array<i32>} : memref<4x4x128xi32, #tpu.memory_space<vmem>>, vector<1x1x16xi32>,
    %get3A_1006 = vector.shape_cast %get3A_1005 : vector<1x1x16xi32> to vector<16xi32>
    %get3A_1007 = arith.constant 2 : i32
    %get3A_1008 = arith.constant 2 : i32
    %get3A_1009 = arith.index_cast %get3A_1007 : i32 to index
    %get3A_1010 = arith.index_cast %get3A_1008 : i32 to index
    %get3A_1011 = arith.constant 32 : index
    %get3A_1012 = tpu.vector_load %arg6[%get3A_1009, %get3A_1010, %get3A_1011] {strides = array<i32>} : memref<4x4x128xi32, #tpu.memory_space<vmem>>, vector<1x1x16xi32>,
    %get3A_1013 = vector.shape_cast %get3A_1012 : vector<1x1x16xi32> to vector<16xi32>
    %get3A_1014 = arith.constant 2 : i32
    %get3A_1015 = arith.constant 3 : i32
    %get3A_1016 = arith.index_cast %get3A_1014 : i32 to index
    %get3A_1017 = arith.index_cast %get3A_1015 : i32 to index
    %get3A_1018 = arith.constant 32 : index
    %get3A_1019 = tpu.vector_load %arg6[%get3A_1016, %get3A_1017, %get3A_1018] {strides = array<i32>} : memref<4x4x128xi32, #tpu.memory_space<vmem>>, vector<1x1x16xi32>,
    %get3A_1020 = vector.shape_cast %get3A_1019 : vector<1x1x16xi32> to vector<16xi32>
    %get3A_1021 = arith.constant 288 : index
    %get3A_1022 = tpu.vector_load %arg7[%get3A_1021] {strides = array<i32>} : memref<512xi32, #tpu.memory_space<vmem>>, vector<16xi32>,
    %get3A_1023 = vector.shape_cast %get3A_1022 : vector<16xi32> to vector<16xi32>
    %mul3A_1024 = arith.constant 64 : i32
    %mul3A_1025 = vector.broadcast %mul3A_1024 : i32 to vector<16xi32>
    %mul3A_1026 = arith.muli %get3A_999, %mul3A_1025 : vector<16xi32>
    %mul3A_1027 = arith.constant 32 : i32
    %mul3A_1028 = vector.broadcast %mul3A_1027 : i32 to vector<16xi32>
    %mul3A_1029 = arith.muli %get3A_1006, %mul3A_1028 : vector<16xi32>
    %add3A_1030 = arith.addi %mul3A_1026, %mul3A_1029 : vector<16xi32>
    %mul3A_1031 = arith.constant 16 : i32
    %mul3A_1032 = vector.broadcast %mul3A_1031 : i32 to vector<16xi32>
    %mul3A_1033 = arith.muli %get3A_1013, %mul3A_1032 : vector<16xi32>
    %add3A_1034 = arith.addi %add3A_1030, %mul3A_1033 : vector<16xi32>
    %mul3A_1035 = arith.constant 8 : i32
    %mul3A_1036 = vector.broadcast %mul3A_1035 : i32 to vector<16xi32>
    %mul3A_1037 = arith.muli %get3A_1020, %mul3A_1036 : vector<16xi32>
    %add3A_1038 = arith.addi %add3A_1034, %mul3A_1037 : vector<16xi32>
    %add3A_1039 = arith.addi %add3A_1038, %get3A_1023 : vector<16xi32>
    %swap3A_1040 = arith.constant 2 : i32
    %swap3A_1041 = arith.index_cast %swap3A_1040 : i32 to index
    %swap3A_1042 = arith.constant 32 : index
    %swap3A_1043 = tpu.vector_load %arg8[%swap3A_1041, %swap3A_1042] {strides = array<i32>} : memref<4x128xi32, #tpu.memory_space<vmem>>, vector<1x16xi32>,
    %swap3A_1044 = vector.shape_cast %swap3A_1043 : vector<1x16xi32> to vector<16xi32>
    %swap3A_1045 = vector.shape_cast %add3A_1039 : vector<16xi32> to vector<1x16xi32>
    tpu.vector_store %arg8[%swap3A_1041, %swap3A_1042], %swap3A_1045 {strides = array<i32>} : memref<4x128xi32, #tpu.memory_space<vmem>>, vector<1x16xi32>,
    %get3A_1046 = arith.constant 2 : i32
    %get3A_1047 = arith.constant 0 : i32
    %get3A_1048 = arith.index_cast %get3A_1046 : i32 to index
    %get3A_1049 = arith.index_cast %get3A_1047 : i32 to index
    %get3A_1050 = arith.constant 48 : index
    %get3A_1051 = tpu.vector_load %arg6[%get3A_1048, %get3A_1049, %get3A_1050] {strides = array<i32>} : memref<4x4x128xi32, #tpu.memory_space<vmem>>, vector<1x1x16xi32>,
    %get3A_1052 = vector.shape_cast %get3A_1051 : vector<1x1x16xi32> to vector<16xi32>
    %get3A_1053 = arith.constant 2 : i32
    %get3A_1054 = arith.constant 1 : i32
    %get3A_1055 = arith.index_cast %get3A_1053 : i32 to index
    %get3A_1056 = arith.index_cast %get3A_1054 : i32 to index
    %get3A_1057 = arith.constant 48 : index
    %get3A_1058 = tpu.vector_load %arg6[%get3A_1055, %get3A_1056, %get3A_1057] {strides = array<i32>} : memref<4x4x128xi32, #tpu.memory_space<vmem>>, vector<1x1x16xi32>,
    %get3A_1059 = vector.shape_cast %get3A_1058 : vector<1x1x16xi32> to vector<16xi32>
    %get3A_1060 = arith.constant 2 : i32
    %get3A_1061 = arith.constant 2 : i32
    %get3A_1062 = arith.index_cast %get3A_1060 : i32 to index
    %get3A_1063 = arith.index_cast %get3A_1061 : i32 to index
    %get3A_1064 = arith.constant 48 : index
    %get3A_1065 = tpu.vector_load %arg6[%get3A_1062, %get3A_1063, %get3A_1064] {strides = array<i32>} : memref<4x4x128xi32, #tpu.memory_space<vmem>>, vector<1x1x16xi32>,
    %get3A_1066 = vector.shape_cast %get3A_1065 : vector<1x1x16xi32> to vector<16xi32>
    %get3A_1067 = arith.constant 2 : i32
    %get3A_1068 = arith.constant 3 : i32
    %get3A_1069 = arith.index_cast %get3A_1067 : i32 to index
    %get3A_1070 = arith.index_cast %get3A_1068 : i32 to index
    %get3A_1071 = arith.constant 48 : index
    %get3A_1072 = tpu.vector_load %arg6[%get3A_1069, %get3A_1070, %get3A_1071] {strides = array<i32>} : memref<4x4x128xi32, #tpu.memory_space<vmem>>, vector<1x1x16xi32>,
    %get3A_1073 = vector.shape_cast %get3A_1072 : vector<1x1x16xi32> to vector<16xi32>
    %get3A_1074 = arith.constant 304 : index
    %get3A_1075 = tpu.vector_load %arg7[%get3A_1074] {strides = array<i32>} : memref<512xi32, #tpu.memory_space<vmem>>, vector<16xi32>,
    %get3A_1076 = vector.shape_cast %get3A_1075 : vector<16xi32> to vector<16xi32>
    %mul3A_1077 = arith.constant 64 : i32
    %mul3A_1078 = vector.broadcast %mul3A_1077 : i32 to vector<16xi32>
    %mul3A_1079 = arith.muli %get3A_1052, %mul3A_1078 : vector<16xi32>
    %mul3A_1080 = arith.constant 32 : i32
    %mul3A_1081 = vector.broadcast %mul3A_1080 : i32 to vector<16xi32>
    %mul3A_1082 = arith.muli %get3A_1059, %mul3A_1081 : vector<16xi32>
    %add3A_1083 = arith.addi %mul3A_1079, %mul3A_1082 : vector<16xi32>
    %mul3A_1084 = arith.constant 16 : i32
    %mul3A_1085 = vector.broadcast %mul3A_1084 : i32 to vector<16xi32>
    %mul3A_1086 = arith.muli %get3A_1066, %mul3A_1085 : vector<16xi32>
    %add3A_1087 = arith.addi %add3A_1083, %mul3A_1086 : vector<16xi32>
    %mul3A_1088 = arith.constant 8 : i32
    %mul3A_1089 = vector.broadcast %mul3A_1088 : i32 to vector<16xi32>
    %mul3A_1090 = arith.muli %get3A_1073, %mul3A_1089 : vector<16xi32>
    %add3A_1091 = arith.addi %add3A_1087, %mul3A_1090 : vector<16xi32>
    %add3A_1092 = arith.addi %add3A_1091, %get3A_1076 : vector<16xi32>
    %swap3A_1093 = arith.constant 2 : i32
    %swap3A_1094 = arith.index_cast %swap3A_1093 : i32 to index
    %swap3A_1095 = arith.constant 48 : index
    %swap3A_1096 = tpu.vector_load %arg8[%swap3A_1094, %swap3A_1095] {strides = array<i32>} : memref<4x128xi32, #tpu.memory_space<vmem>>, vector<1x16xi32>,
    %swap3A_1097 = vector.shape_cast %swap3A_1096 : vector<1x16xi32> to vector<16xi32>
    %swap3A_1098 = vector.shape_cast %add3A_1092 : vector<16xi32> to vector<1x16xi32>
    tpu.vector_store %arg8[%swap3A_1094, %swap3A_1095], %swap3A_1098 {strides = array<i32>} : memref<4x128xi32, #tpu.memory_space<vmem>>, vector<1x16xi32>,
    %get3A_1099 = arith.constant 2 : i32
    %get3A_1100 = arith.constant 0 : i32
    %get3A_1101 = arith.index_cast %get3A_1099 : i32 to index
    %get3A_1102 = arith.index_cast %get3A_1100 : i32 to index
    %get3A_1103 = arith.constant 64 : index
    %get3A_1104 = tpu.vector_load %arg6[%get3A_1101, %get3A_1102, %get3A_1103] {strides = array<i32>} : memref<4x4x128xi32, #tpu.memory_space<vmem>>, vector<1x1x16xi32>,
    %get3A_1105 = vector.shape_cast %get3A_1104 : vector<1x1x16xi32> to vector<16xi32>
    %get3A_1106 = arith.constant 2 : i32
    %get3A_1107 = arith.constant 1 : i32
    %get3A_1108 = arith.index_cast %get3A_1106 : i32 to index
    %get3A_1109 = arith.index_cast %get3A_1107 : i32 to index
    %get3A_1110 = arith.constant 64 : index
    %get3A_1111 = tpu.vector_load %arg6[%get3A_1108, %get3A_1109, %get3A_1110] {strides = array<i32>} : memref<4x4x128xi32, #tpu.memory_space<vmem>>, vector<1x1x16xi32>,
    %get3A_1112 = vector.shape_cast %get3A_1111 : vector<1x1x16xi32> to vector<16xi32>
    %get3A_1113 = arith.constant 2 : i32
    %get3A_1114 = arith.constant 2 : i32
    %get3A_1115 = arith.index_cast %get3A_1113 : i32 to index
    %get3A_1116 = arith.index_cast %get3A_1114 : i32 to index
    %get3A_1117 = arith.constant 64 : index
    %get3A_1118 = tpu.vector_load %arg6[%get3A_1115, %get3A_1116, %get3A_1117] {strides = array<i32>} : memref<4x4x128xi32, #tpu.memory_space<vmem>>, vector<1x1x16xi32>,
    %get3A_1119 = vector.shape_cast %get3A_1118 : vector<1x1x16xi32> to vector<16xi32>
    %get3A_1120 = arith.constant 2 : i32
    %get3A_1121 = arith.constant 3 : i32
    %get3A_1122 = arith.index_cast %get3A_1120 : i32 to index
    %get3A_1123 = arith.index_cast %get3A_1121 : i32 to index
    %get3A_1124 = arith.constant 64 : index
    %get3A_1125 = tpu.vector_load %arg6[%get3A_1122, %get3A_1123, %get3A_1124] {strides = array<i32>} : memref<4x4x128xi32, #tpu.memory_space<vmem>>, vector<1x1x16xi32>,
    %get3A_1126 = vector.shape_cast %get3A_1125 : vector<1x1x16xi32> to vector<16xi32>
    %get3A_1127 = arith.constant 320 : index
    %get3A_1128 = tpu.vector_load %arg7[%get3A_1127] {strides = array<i32>} : memref<512xi32, #tpu.memory_space<vmem>>, vector<16xi32>,
    %get3A_1129 = vector.shape_cast %get3A_1128 : vector<16xi32> to vector<16xi32>
    %mul3A_1130 = arith.constant 64 : i32
    %mul3A_1131 = vector.broadcast %mul3A_1130 : i32 to vector<16xi32>
    %mul3A_1132 = arith.muli %get3A_1105, %mul3A_1131 : vector<16xi32>
    %mul3A_1133 = arith.constant 32 : i32
    %mul3A_1134 = vector.broadcast %mul3A_1133 : i32 to vector<16xi32>
    %mul3A_1135 = arith.muli %get3A_1112, %mul3A_1134 : vector<16xi32>
    %add3A_1136 = arith.addi %mul3A_1132, %mul3A_1135 : vector<16xi32>
    %mul3A_1137 = arith.constant 16 : i32
    %mul3A_1138 = vector.broadcast %mul3A_1137 : i32 to vector<16xi32>
    %mul3A_1139 = arith.muli %get3A_1119, %mul3A_1138 : vector<16xi32>
    %add3A_1140 = arith.addi %add3A_1136, %mul3A_1139 : vector<16xi32>
    %mul3A_1141 = arith.constant 8 : i32
    %mul3A_1142 = vector.broadcast %mul3A_1141 : i32 to vector<16xi32>
    %mul3A_1143 = arith.muli %get3A_1126, %mul3A_1142 : vector<16xi32>
    %add3A_1144 = arith.addi %add3A_1140, %mul3A_1143 : vector<16xi32>
    %add3A_1145 = arith.addi %add3A_1144, %get3A_1129 : vector<16xi32>
    %swap3A_1146 = arith.constant 2 : i32
    %swap3A_1147 = arith.index_cast %swap3A_1146 : i32 to index
    %swap3A_1148 = arith.constant 64 : index
    %swap3A_1149 = tpu.vector_load %arg8[%swap3A_1147, %swap3A_1148] {strides = array<i32>} : memref<4x128xi32, #tpu.memory_space<vmem>>, vector<1x16xi32>,
    %swap3A_1150 = vector.shape_cast %swap3A_1149 : vector<1x16xi32> to vector<16xi32>
    %swap3A_1151 = vector.shape_cast %add3A_1145 : vector<16xi32> to vector<1x16xi32>
    tpu.vector_store %arg8[%swap3A_1147, %swap3A_1148], %swap3A_1151 {strides = array<i32>} : memref<4x128xi32, #tpu.memory_space<vmem>>, vector<1x16xi32>,
    %get3A_1152 = arith.constant 2 : i32
    %get3A_1153 = arith.constant 0 : i32
    %get3A_1154 = arith.index_cast %get3A_1152 : i32 to index
    %get3A_1155 = arith.index_cast %get3A_1153 : i32 to index
    %get3A_1156 = arith.constant 80 : index
    %get3A_1157 = tpu.vector_load %arg6[%get3A_1154, %get3A_1155, %get3A_1156] {strides = array<i32>} : memref<4x4x128xi32, #tpu.memory_space<vmem>>, vector<1x1x16xi32>,
    %get3A_1158 = vector.shape_cast %get3A_1157 : vector<1x1x16xi32> to vector<16xi32>
    %get3A_1159 = arith.constant 2 : i32
    %get3A_1160 = arith.constant 1 : i32
    %get3A_1161 = arith.index_cast %get3A_1159 : i32 to index
    %get3A_1162 = arith.index_cast %get3A_1160 : i32 to index
    %get3A_1163 = arith.constant 80 : index
    %get3A_1164 = tpu.vector_load %arg6[%get3A_1161, %get3A_1162, %get3A_1163] {strides = array<i32>} : memref<4x4x128xi32, #tpu.memory_space<vmem>>, vector<1x1x16xi32>,
    %get3A_1165 = vector.shape_cast %get3A_1164 : vector<1x1x16xi32> to vector<16xi32>
    %get3A_1166 = arith.constant 2 : i32
    %get3A_1167 = arith.constant 2 : i32
    %get3A_1168 = arith.index_cast %get3A_1166 : i32 to index
    %get3A_1169 = arith.index_cast %get3A_1167 : i32 to index
    %get3A_1170 = arith.constant 80 : index
    %get3A_1171 = tpu.vector_load %arg6[%get3A_1168, %get3A_1169, %get3A_1170] {strides = array<i32>} : memref<4x4x128xi32, #tpu.memory_space<vmem>>, vector<1x1x16xi32>,
    %get3A_1172 = vector.shape_cast %get3A_1171 : vector<1x1x16xi32> to vector<16xi32>
    %get3A_1173 = arith.constant 2 : i32
    %get3A_1174 = arith.constant 3 : i32
    %get3A_1175 = arith.index_cast %get3A_1173 : i32 to index
    %get3A_1176 = arith.index_cast %get3A_1174 : i32 to index
    %get3A_1177 = arith.constant 80 : index
    %get3A_1178 = tpu.vector_load %arg6[%get3A_1175, %get3A_1176, %get3A_1177] {strides = array<i32>} : memref<4x4x128xi32, #tpu.memory_space<vmem>>, vector<1x1x16xi32>,
    %get3A_1179 = vector.shape_cast %get3A_1178 : vector<1x1x16xi32> to vector<16xi32>
    %get3A_1180 = arith.constant 336 : index
    %get3A_1181 = tpu.vector_load %arg7[%get3A_1180] {strides = array<i32>} : memref<512xi32, #tpu.memory_space<vmem>>, vector<16xi32>,
    %get3A_1182 = vector.shape_cast %get3A_1181 : vector<16xi32> to vector<16xi32>
    %mul3A_1183 = arith.constant 64 : i32
    %mul3A_1184 = vector.broadcast %mul3A_1183 : i32 to vector<16xi32>
    %mul3A_1185 = arith.muli %get3A_1158, %mul3A_1184 : vector<16xi32>
    %mul3A_1186 = arith.constant 32 : i32
    %mul3A_1187 = vector.broadcast %mul3A_1186 : i32 to vector<16xi32>
    %mul3A_1188 = arith.muli %get3A_1165, %mul3A_1187 : vector<16xi32>
    %add3A_1189 = arith.addi %mul3A_1185, %mul3A_1188 : vector<16xi32>
    %mul3A_1190 = arith.constant 16 : i32
    %mul3A_1191 = vector.broadcast %mul3A_1190 : i32 to vector<16xi32>
    %mul3A_1192 = arith.muli %get3A_1172, %mul3A_1191 : vector<16xi32>
    %add3A_1193 = arith.addi %add3A_1189, %mul3A_1192 : vector<16xi32>
    %mul3A_1194 = arith.constant 8 : i32
    %mul3A_1195 = vector.broadcast %mul3A_1194 : i32 to vector<16xi32>
    %mul3A_1196 = arith.muli %get3A_1179, %mul3A_1195 : vector<16xi32>
    %add3A_1197 = arith.addi %add3A_1193, %mul3A_1196 : vector<16xi32>
    %add3A_1198 = arith.addi %add3A_1197, %get3A_1182 : vector<16xi32>
    %swap3A_1199 = arith.constant 2 : i32
    %swap3A_1200 = arith.index_cast %swap3A_1199 : i32 to index
    %swap3A_1201 = arith.constant 80 : index
    %swap3A_1202 = tpu.vector_load %arg8[%swap3A_1200, %swap3A_1201] {strides = array<i32>} : memref<4x128xi32, #tpu.memory_space<vmem>>, vector<1x16xi32>,
    %swap3A_1203 = vector.shape_cast %swap3A_1202 : vector<1x16xi32> to vector<16xi32>
    %swap3A_1204 = vector.shape_cast %add3A_1198 : vector<16xi32> to vector<1x16xi32>
    tpu.vector_store %arg8[%swap3A_1200, %swap3A_1201], %swap3A_1204 {strides = array<i32>} : memref<4x128xi32, #tpu.memory_space<vmem>>, vector<1x16xi32>,
    %get3A_1205 = arith.constant 2 : i32
    %get3A_1206 = arith.constant 0 : i32
    %get3A_1207 = arith.index_cast %get3A_1205 : i32 to index
    %get3A_1208 = arith.index_cast %get3A_1206 : i32 to index
    %get3A_1209 = arith.constant 96 : index
    %get3A_1210 = tpu.vector_load %arg6[%get3A_1207, %get3A_1208, %get3A_1209] {strides = array<i32>} : memref<4x4x128xi32, #tpu.memory_space<vmem>>, vector<1x1x16xi32>,
    %get3A_1211 = vector.shape_cast %get3A_1210 : vector<1x1x16xi32> to vector<16xi32>
    %get3A_1212 = arith.constant 2 : i32
    %get3A_1213 = arith.constant 1 : i32
    %get3A_1214 = arith.index_cast %get3A_1212 : i32 to index
    %get3A_1215 = arith.index_cast %get3A_1213 : i32 to index
    %get3A_1216 = arith.constant 96 : index
    %get3A_1217 = tpu.vector_load %arg6[%get3A_1214, %get3A_1215, %get3A_1216] {strides = array<i32>} : memref<4x4x128xi32, #tpu.memory_space<vmem>>, vector<1x1x16xi32>,
    %get3A_1218 = vector.shape_cast %get3A_1217 : vector<1x1x16xi32> to vector<16xi32>
    %get3A_1219 = arith.constant 2 : i32
    %get3A_1220 = arith.constant 2 : i32
    %get3A_1221 = arith.index_cast %get3A_1219 : i32 to index
    %get3A_1222 = arith.index_cast %get3A_1220 : i32 to index
    %get3A_1223 = arith.constant 96 : index
    %get3A_1224 = tpu.vector_load %arg6[%get3A_1221, %get3A_1222, %get3A_1223] {strides = array<i32>} : memref<4x4x128xi32, #tpu.memory_space<vmem>>, vector<1x1x16xi32>,
    %get3A_1225 = vector.shape_cast %get3A_1224 : vector<1x1x16xi32> to vector<16xi32>
    %get3A_1226 = arith.constant 2 : i32
    %get3A_1227 = arith.constant 3 : i32
    %get3A_1228 = arith.index_cast %get3A_1226 : i32 to index
    %get3A_1229 = arith.index_cast %get3A_1227 : i32 to index
    %get3A_1230 = arith.constant 96 : index
    %get3A_1231 = tpu.vector_load %arg6[%get3A_1228, %get3A_1229, %get3A_1230] {strides = array<i32>} : memref<4x4x128xi32, #tpu.memory_space<vmem>>, vector<1x1x16xi32>,
    %get3A_1232 = vector.shape_cast %get3A_1231 : vector<1x1x16xi32> to vector<16xi32>
    %get3A_1233 = arith.constant 352 : index
    %get3A_1234 = tpu.vector_load %arg7[%get3A_1233] {strides = array<i32>} : memref<512xi32, #tpu.memory_space<vmem>>, vector<16xi32>,
    %get3A_1235 = vector.shape_cast %get3A_1234 : vector<16xi32> to vector<16xi32>
    %mul3A_1236 = arith.constant 64 : i32
    %mul3A_1237 = vector.broadcast %mul3A_1236 : i32 to vector<16xi32>
    %mul3A_1238 = arith.muli %get3A_1211, %mul3A_1237 : vector<16xi32>
    %mul3A_1239 = arith.constant 32 : i32
    %mul3A_1240 = vector.broadcast %mul3A_1239 : i32 to vector<16xi32>
    %mul3A_1241 = arith.muli %get3A_1218, %mul3A_1240 : vector<16xi32>
    %add3A_1242 = arith.addi %mul3A_1238, %mul3A_1241 : vector<16xi32>
    %mul3A_1243 = arith.constant 16 : i32
    %mul3A_1244 = vector.broadcast %mul3A_1243 : i32 to vector<16xi32>
    %mul3A_1245 = arith.muli %get3A_1225, %mul3A_1244 : vector<16xi32>
    %add3A_1246 = arith.addi %add3A_1242, %mul3A_1245 : vector<16xi32>
    %mul3A_1247 = arith.constant 8 : i32
    %mul3A_1248 = vector.broadcast %mul3A_1247 : i32 to vector<16xi32>
    %mul3A_1249 = arith.muli %get3A_1232, %mul3A_1248 : vector<16xi32>
    %add3A_1250 = arith.addi %add3A_1246, %mul3A_1249 : vector<16xi32>
    %add3A_1251 = arith.addi %add3A_1250, %get3A_1235 : vector<16xi32>
    %swap3A_1252 = arith.constant 2 : i32
    %swap3A_1253 = arith.index_cast %swap3A_1252 : i32 to index
    %swap3A_1254 = arith.constant 96 : index
    %swap3A_1255 = tpu.vector_load %arg8[%swap3A_1253, %swap3A_1254] {strides = array<i32>} : memref<4x128xi32, #tpu.memory_space<vmem>>, vector<1x16xi32>,
    %swap3A_1256 = vector.shape_cast %swap3A_1255 : vector<1x16xi32> to vector<16xi32>
    %swap3A_1257 = vector.shape_cast %add3A_1251 : vector<16xi32> to vector<1x16xi32>
    tpu.vector_store %arg8[%swap3A_1253, %swap3A_1254], %swap3A_1257 {strides = array<i32>} : memref<4x128xi32, #tpu.memory_space<vmem>>, vector<1x16xi32>,
    %get3A_1258 = arith.constant 2 : i32
    %get3A_1259 = arith.constant 0 : i32
    %get3A_1260 = arith.index_cast %get3A_1258 : i32 to index
    %get3A_1261 = arith.index_cast %get3A_1259 : i32 to index
    %get3A_1262 = arith.constant 112 : index
    %get3A_1263 = tpu.vector_load %arg6[%get3A_1260, %get3A_1261, %get3A_1262] {strides = array<i32>} : memref<4x4x128xi32, #tpu.memory_space<vmem>>, vector<1x1x16xi32>,
    %get3A_1264 = vector.shape_cast %get3A_1263 : vector<1x1x16xi32> to vector<16xi32>
    %get3A_1265 = arith.constant 2 : i32
    %get3A_1266 = arith.constant 1 : i32
    %get3A_1267 = arith.index_cast %get3A_1265 : i32 to index
    %get3A_1268 = arith.index_cast %get3A_1266 : i32 to index
    %get3A_1269 = arith.constant 112 : index
    %get3A_1270 = tpu.vector_load %arg6[%get3A_1267, %get3A_1268, %get3A_1269] {strides = array<i32>} : memref<4x4x128xi32, #tpu.memory_space<vmem>>, vector<1x1x16xi32>,
    %get3A_1271 = vector.shape_cast %get3A_1270 : vector<1x1x16xi32> to vector<16xi32>
    %get3A_1272 = arith.constant 2 : i32
    %get3A_1273 = arith.constant 2 : i32
    %get3A_1274 = arith.index_cast %get3A_1272 : i32 to index
    %get3A_1275 = arith.index_cast %get3A_1273 : i32 to index
    %get3A_1276 = arith.constant 112 : index
    %get3A_1277 = tpu.vector_load %arg6[%get3A_1274, %get3A_1275, %get3A_1276] {strides = array<i32>} : memref<4x4x128xi32, #tpu.memory_space<vmem>>, vector<1x1x16xi32>,
    %get3A_1278 = vector.shape_cast %get3A_1277 : vector<1x1x16xi32> to vector<16xi32>
    %get3A_1279 = arith.constant 2 : i32
    %get3A_1280 = arith.constant 3 : i32
    %get3A_1281 = arith.index_cast %get3A_1279 : i32 to index
    %get3A_1282 = arith.index_cast %get3A_1280 : i32 to index
    %get3A_1283 = arith.constant 112 : index
    %get3A_1284 = tpu.vector_load %arg6[%get3A_1281, %get3A_1282, %get3A_1283] {strides = array<i32>} : memref<4x4x128xi32, #tpu.memory_space<vmem>>, vector<1x1x16xi32>,
    %get3A_1285 = vector.shape_cast %get3A_1284 : vector<1x1x16xi32> to vector<16xi32>
    %get3A_1286 = arith.constant 368 : index
    %get3A_1287 = tpu.vector_load %arg7[%get3A_1286] {strides = array<i32>} : memref<512xi32, #tpu.memory_space<vmem>>, vector<16xi32>,
    %get3A_1288 = vector.shape_cast %get3A_1287 : vector<16xi32> to vector<16xi32>
    %mul3A_1289 = arith.constant 64 : i32
    %mul3A_1290 = vector.broadcast %mul3A_1289 : i32 to vector<16xi32>
    %mul3A_1291 = arith.muli %get3A_1264, %mul3A_1290 : vector<16xi32>
    %mul3A_1292 = arith.constant 32 : i32
    %mul3A_1293 = vector.broadcast %mul3A_1292 : i32 to vector<16xi32>
    %mul3A_1294 = arith.muli %get3A_1271, %mul3A_1293 : vector<16xi32>
    %add3A_1295 = arith.addi %mul3A_1291, %mul3A_1294 : vector<16xi32>
    %mul3A_1296 = arith.constant 16 : i32
    %mul3A_1297 = vector.broadcast %mul3A_1296 : i32 to vector<16xi32>
    %mul3A_1298 = arith.muli %get3A_1278, %mul3A_1297 : vector<16xi32>
    %add3A_1299 = arith.addi %add3A_1295, %mul3A_1298 : vector<16xi32>
    %mul3A_1300 = arith.constant 8 : i32
    %mul3A_1301 = vector.broadcast %mul3A_1300 : i32 to vector<16xi32>
    %mul3A_1302 = arith.muli %get3A_1285, %mul3A_1301 : vector<16xi32>
    %add3A_1303 = arith.addi %add3A_1299, %mul3A_1302 : vector<16xi32>
    %add3A_1304 = arith.addi %add3A_1303, %get3A_1288 : vector<16xi32>
    %swap3A_1305 = arith.constant 2 : i32
    %swap3A_1306 = arith.index_cast %swap3A_1305 : i32 to index
    %swap3A_1307 = arith.constant 112 : index
    %swap3A_1308 = tpu.vector_load %arg8[%swap3A_1306, %swap3A_1307] {strides = array<i32>} : memref<4x128xi32, #tpu.memory_space<vmem>>, vector<1x16xi32>,
    %swap3A_1309 = vector.shape_cast %swap3A_1308 : vector<1x16xi32> to vector<16xi32>
    %swap3A_1310 = vector.shape_cast %add3A_1304 : vector<16xi32> to vector<1x16xi32>
    tpu.vector_store %arg8[%swap3A_1306, %swap3A_1307], %swap3A_1310 {strides = array<i32>} : memref<4x128xi32, #tpu.memory_space<vmem>>, vector<1x16xi32>,
    %dma_start3A_1311 = arith.constant 2 : i32
    %dma_start3A_1312 = arith.constant 256 : i32
    %dma_start3A_1313 = arith.constant 0 : i32
    %dma_start3A_1314 = tpu.memref_slice %arg9[%dma_start3A_1312, %dma_start3A_1313] : memref<512x64xf32, #tpu.memory_space<vmem>> -> memref<128x64xf32, #tpu.memory_space<vmem>>
    %dma_start3A_1315 = arith.constant 0 : i32
    %dma_start3A_1316 = tpu.memref_slice %arg8[%dma_start3A_1311, %dma_start3A_1315] : memref<4x128xi32, #tpu.memory_space<vmem>> -> memref<1x128xi32, #tpu.memory_space<vmem>>
    %dma_start3A_1317 = tpu.memref_squeeze %dma_start3A_1316 : memref<1x128xi32, #tpu.memory_space<vmem>> -> memref<128xi32, #tpu.memory_space<vmem>>
    %dma_start3A_1318 = arith.constant 0 : i32
    %dma_start3A_1319 = arith.constant 0 : i32
    %dma_start3A_1320 = tpu.memref_slice %arg10[%dma_start3A_1318, %dma_start3A_1319] : memref<128x64xf32, #tpu.memory_space<vmem_shared>> -> memref<128x64xf32, #tpu.memory_space<vmem_shared>>
    tpu.enqueue_indirect_dma source(%dma_start3A_1320 : memref<128x64xf32, #tpu.memory_space<vmem_shared>>) target(%dma_start3A_1314 : memref<128x64xf32, #tpu.memory_space<vmem>>) offsets(%dma_start3A_1317 : memref<128xi32, #tpu.memory_space<vmem>>) semaphore(%arg12 : memref<!tpu.dma_semaphore, #tpu.memory_space<semaphore_mem>>)
    %get3A_1321 = arith.constant 3 : i32
    %get3A_1322 = arith.constant 0 : i32
    %get3A_1323 = arith.index_cast %get3A_1321 : i32 to index
    %get3A_1324 = arith.index_cast %get3A_1322 : i32 to index
    %get3A_1325 = arith.constant 0 : index
    %get3A_1326 = tpu.vector_load %arg6[%get3A_1323, %get3A_1324, %get3A_1325] {strides = array<i32>} : memref<4x4x128xi32, #tpu.memory_space<vmem>>, vector<1x1x16xi32>,
    %get3A_1327 = vector.shape_cast %get3A_1326 : vector<1x1x16xi32> to vector<16xi32>
    %get3A_1328 = arith.constant 3 : i32
    %get3A_1329 = arith.constant 1 : i32
    %get3A_1330 = arith.index_cast %get3A_1328 : i32 to index
    %get3A_1331 = arith.index_cast %get3A_1329 : i32 to index
    %get3A_1332 = arith.constant 0 : index
    %get3A_1333 = tpu.vector_load %arg6[%get3A_1330, %get3A_1331, %get3A_1332] {strides = array<i32>} : memref<4x4x128xi32, #tpu.memory_space<vmem>>, vector<1x1x16xi32>,
    %get3A_1334 = vector.shape_cast %get3A_1333 : vector<1x1x16xi32> to vector<16xi32>
    %get3A_1335 = arith.constant 3 : i32
    %get3A_1336 = arith.constant 2 : i32
    %get3A_1337 = arith.index_cast %get3A_1335 : i32 to index
    %get3A_1338 = arith.index_cast %get3A_1336 : i32 to index
    %get3A_1339 = arith.constant 0 : index
    %get3A_1340 = tpu.vector_load %arg6[%get3A_1337, %get3A_1338, %get3A_1339] {strides = array<i32>} : memref<4x4x128xi32, #tpu.memory_space<vmem>>, vector<1x1x16xi32>,
    %get3A_1341 = vector.shape_cast %get3A_1340 : vector<1x1x16xi32> to vector<16xi32>
    %get3A_1342 = arith.constant 3 : i32
    %get3A_1343 = arith.constant 3 : i32
    %get3A_1344 = arith.index_cast %get3A_1342 : i32 to index
    %get3A_1345 = arith.index_cast %get3A_1343 : i32 to index
    %get3A_1346 = arith.constant 0 : index
    %get3A_1347 = tpu.vector_load %arg6[%get3A_1344, %get3A_1345, %get3A_1346] {strides = array<i32>} : memref<4x4x128xi32, #tpu.memory_space<vmem>>, vector<1x1x16xi32>,
    %get3A_1348 = vector.shape_cast %get3A_1347 : vector<1x1x16xi32> to vector<16xi32>
    %get3A_1349 = arith.constant 384 : index
    %get3A_1350 = tpu.vector_load %arg7[%get3A_1349] {strides = array<i32>} : memref<512xi32, #tpu.memory_space<vmem>>, vector<16xi32>,
    %get3A_1351 = vector.shape_cast %get3A_1350 : vector<16xi32> to vector<16xi32>
    %mul3A_1352 = arith.constant 64 : i32
    %mul3A_1353 = vector.broadcast %mul3A_1352 : i32 to vector<16xi32>
    %mul3A_1354 = arith.muli %get3A_1327, %mul3A_1353 : vector<16xi32>
    %mul3A_1355 = arith.constant 32 : i32
    %mul3A_1356 = vector.broadcast %mul3A_1355 : i32 to vector<16xi32>
    %mul3A_1357 = arith.muli %get3A_1334, %mul3A_1356 : vector<16xi32>
    %add3A_1358 = arith.addi %mul3A_1354, %mul3A_1357 : vector<16xi32>
    %mul3A_1359 = arith.constant 16 : i32
    %mul3A_1360 = vector.broadcast %mul3A_1359 : i32 to vector<16xi32>
    %mul3A_1361 = arith.muli %get3A_1341, %mul3A_1360 : vector<16xi32>
    %add3A_1362 = arith.addi %add3A_1358, %mul3A_1361 : vector<16xi32>
    %mul3A_1363 = arith.constant 8 : i32
    %mul3A_1364 = vector.broadcast %mul3A_1363 : i32 to vector<16xi32>
    %mul3A_1365 = arith.muli %get3A_1348, %mul3A_1364 : vector<16xi32>
    %add3A_1366 = arith.addi %add3A_1362, %mul3A_1365 : vector<16xi32>
    %add3A_1367 = arith.addi %add3A_1366, %get3A_1351 : vector<16xi32>
    %swap3A_1368 = arith.constant 3 : i32
    %swap3A_1369 = arith.index_cast %swap3A_1368 : i32 to index
    %swap3A_1370 = arith.constant 0 : index
    %swap3A_1371 = tpu.vector_load %arg8[%swap3A_1369, %swap3A_1370] {strides = array<i32>} : memref<4x128xi32, #tpu.memory_space<vmem>>, vector<1x16xi32>,
    %swap3A_1372 = vector.shape_cast %swap3A_1371 : vector<1x16xi32> to vector<16xi32>
    %swap3A_1373 = vector.shape_cast %add3A_1367 : vector<16xi32> to vector<1x16xi32>
    tpu.vector_store %arg8[%swap3A_1369, %swap3A_1370], %swap3A_1373 {strides = array<i32>} : memref<4x128xi32, #tpu.memory_space<vmem>>, vector<1x16xi32>,
    %get3A_1374 = arith.constant 3 : i32
    %get3A_1375 = arith.constant 0 : i32
    %get3A_1376 = arith.index_cast %get3A_1374 : i32 to index
    %get3A_1377 = arith.index_cast %get3A_1375 : i32 to index
    %get3A_1378 = arith.constant 16 : index
    %get3A_1379 = tpu.vector_load %arg6[%get3A_1376, %get3A_1377, %get3A_1378] {strides = array<i32>} : memref<4x4x128xi32, #tpu.memory_space<vmem>>, vector<1x1x16xi32>,
    %get3A_1380 = vector.shape_cast %get3A_1379 : vector<1x1x16xi32> to vector<16xi32>
    %get3A_1381 = arith.constant 3 : i32
    %get3A_1382 = arith.constant 1 : i32
    %get3A_1383 = arith.index_cast %get3A_1381 : i32 to index
    %get3A_1384 = arith.index_cast %get3A_1382 : i32 to index
    %get3A_1385 = arith.constant 16 : index
    %get3A_1386 = tpu.vector_load %arg6[%get3A_1383, %get3A_1384, %get3A_1385] {strides = array<i32>} : memref<4x4x128xi32, #tpu.memory_space<vmem>>, vector<1x1x16xi32>,
    %get3A_1387 = vector.shape_cast %get3A_1386 : vector<1x1x16xi32> to vector<16xi32>
    %get3A_1388 = arith.constant 3 : i32
    %get3A_1389 = arith.constant 2 : i32
    %get3A_1390 = arith.index_cast %get3A_1388 : i32 to index
    %get3A_1391 = arith.index_cast %get3A_1389 : i32 to index
    %get3A_1392 = arith.constant 16 : index
    %get3A_1393 = tpu.vector_load %arg6[%get3A_1390, %get3A_1391, %get3A_1392] {strides = array<i32>} : memref<4x4x128xi32, #tpu.memory_space<vmem>>, vector<1x1x16xi32>,
    %get3A_1394 = vector.shape_cast %get3A_1393 : vector<1x1x16xi32> to vector<16xi32>
    %get3A_1395 = arith.constant 3 : i32
    %get3A_1396 = arith.constant 3 : i32
    %get3A_1397 = arith.index_cast %get3A_1395 : i32 to index
    %get3A_1398 = arith.index_cast %get3A_1396 : i32 to index
    %get3A_1399 = arith.constant 16 : index
    %get3A_1400 = tpu.vector_load %arg6[%get3A_1397, %get3A_1398, %get3A_1399] {strides = array<i32>} : memref<4x4x128xi32, #tpu.memory_space<vmem>>, vector<1x1x16xi32>,
    %get3A_1401 = vector.shape_cast %get3A_1400 : vector<1x1x16xi32> to vector<16xi32>
    %get3A_1402 = arith.constant 400 : index
    %get3A_1403 = tpu.vector_load %arg7[%get3A_1402] {strides = array<i32>} : memref<512xi32, #tpu.memory_space<vmem>>, vector<16xi32>,
    %get3A_1404 = vector.shape_cast %get3A_1403 : vector<16xi32> to vector<16xi32>
    %mul3A_1405 = arith.constant 64 : i32
    %mul3A_1406 = vector.broadcast %mul3A_1405 : i32 to vector<16xi32>
    %mul3A_1407 = arith.muli %get3A_1380, %mul3A_1406 : vector<16xi32>
    %mul3A_1408 = arith.constant 32 : i32
    %mul3A_1409 = vector.broadcast %mul3A_1408 : i32 to vector<16xi32>
    %mul3A_1410 = arith.muli %get3A_1387, %mul3A_1409 : vector<16xi32>
    %add3A_1411 = arith.addi %mul3A_1407, %mul3A_1410 : vector<16xi32>
    %mul3A_1412 = arith.constant 16 : i32
    %mul3A_1413 = vector.broadcast %mul3A_1412 : i32 to vector<16xi32>
    %mul3A_1414 = arith.muli %get3A_1394, %mul3A_1413 : vector<16xi32>
    %add3A_1415 = arith.addi %add3A_1411, %mul3A_1414 : vector<16xi32>
    %mul3A_1416 = arith.constant 8 : i32
    %mul3A_1417 = vector.broadcast %mul3A_1416 : i32 to vector<16xi32>
    %mul3A_1418 = arith.muli %get3A_1401, %mul3A_1417 : vector<16xi32>
    %add3A_1419 = arith.addi %add3A_1415, %mul3A_1418 : vector<16xi32>
    %add3A_1420 = arith.addi %add3A_1419, %get3A_1404 : vector<16xi32>
    %swap3A_1421 = arith.constant 3 : i32
    %swap3A_1422 = arith.index_cast %swap3A_1421 : i32 to index
    %swap3A_1423 = arith.constant 16 : index
    %swap3A_1424 = tpu.vector_load %arg8[%swap3A_1422, %swap3A_1423] {strides = array<i32>} : memref<4x128xi32, #tpu.memory_space<vmem>>, vector<1x16xi32>,
    %swap3A_1425 = vector.shape_cast %swap3A_1424 : vector<1x16xi32> to vector<16xi32>
    %swap3A_1426 = vector.shape_cast %add3A_1420 : vector<16xi32> to vector<1x16xi32>
    tpu.vector_store %arg8[%swap3A_1422, %swap3A_1423], %swap3A_1426 {strides = array<i32>} : memref<4x128xi32, #tpu.memory_space<vmem>>, vector<1x16xi32>,
    %get3A_1427 = arith.constant 3 : i32
    %get3A_1428 = arith.constant 0 : i32
    %get3A_1429 = arith.index_cast %get3A_1427 : i32 to index
    %get3A_1430 = arith.index_cast %get3A_1428 : i32 to index
    %get3A_1431 = arith.constant 32 : index
    %get3A_1432 = tpu.vector_load %arg6[%get3A_1429, %get3A_1430, %get3A_1431] {strides = array<i32>} : memref<4x4x128xi32, #tpu.memory_space<vmem>>, vector<1x1x16xi32>,
    %get3A_1433 = vector.shape_cast %get3A_1432 : vector<1x1x16xi32> to vector<16xi32>
    %get3A_1434 = arith.constant 3 : i32
    %get3A_1435 = arith.constant 1 : i32
    %get3A_1436 = arith.index_cast %get3A_1434 : i32 to index
    %get3A_1437 = arith.index_cast %get3A_1435 : i32 to index
    %get3A_1438 = arith.constant 32 : index
    %get3A_1439 = tpu.vector_load %arg6[%get3A_1436, %get3A_1437, %get3A_1438] {strides = array<i32>} : memref<4x4x128xi32, #tpu.memory_space<vmem>>, vector<1x1x16xi32>,
    %get3A_1440 = vector.shape_cast %get3A_1439 : vector<1x1x16xi32> to vector<16xi32>
    %get3A_1441 = arith.constant 3 : i32
    %get3A_1442 = arith.constant 2 : i32
    %get3A_1443 = arith.index_cast %get3A_1441 : i32 to index
    %get3A_1444 = arith.index_cast %get3A_1442 : i32 to index
    %get3A_1445 = arith.constant 32 : index
    %get3A_1446 = tpu.vector_load %arg6[%get3A_1443, %get3A_1444, %get3A_1445] {strides = array<i32>} : memref<4x4x128xi32, #tpu.memory_space<vmem>>, vector<1x1x16xi32>,
    %get3A_1447 = vector.shape_cast %get3A_1446 : vector<1x1x16xi32> to vector<16xi32>
    %get3A_1448 = arith.constant 3 : i32
    %get3A_1449 = arith.constant 3 : i32
    %get3A_1450 = arith.index_cast %get3A_1448 : i32 to index
    %get3A_1451 = arith.index_cast %get3A_1449 : i32 to index
    %get3A_1452 = arith.constant 32 : index
    %get3A_1453 = tpu.vector_load %arg6[%get3A_1450, %get3A_1451, %get3A_1452] {strides = array<i32>} : memref<4x4x128xi32, #tpu.memory_space<vmem>>, vector<1x1x16xi32>,
    %get3A_1454 = vector.shape_cast %get3A_1453 : vector<1x1x16xi32> to vector<16xi32>
    %get3A_1455 = arith.constant 416 : index
    %get3A_1456 = tpu.vector_load %arg7[%get3A_1455] {strides = array<i32>} : memref<512xi32, #tpu.memory_space<vmem>>, vector<16xi32>,
    %get3A_1457 = vector.shape_cast %get3A_1456 : vector<16xi32> to vector<16xi32>
    %mul3A_1458 = arith.constant 64 : i32
    %mul3A_1459 = vector.broadcast %mul3A_1458 : i32 to vector<16xi32>
    %mul3A_1460 = arith.muli %get3A_1433, %mul3A_1459 : vector<16xi32>
    %mul3A_1461 = arith.constant 32 : i32
    %mul3A_1462 = vector.broadcast %mul3A_1461 : i32 to vector<16xi32>
    %mul3A_1463 = arith.muli %get3A_1440, %mul3A_1462 : vector<16xi32>
    %add3A_1464 = arith.addi %mul3A_1460, %mul3A_1463 : vector<16xi32>
    %mul3A_1465 = arith.constant 16 : i32
    %mul3A_1466 = vector.broadcast %mul3A_1465 : i32 to vector<16xi32>
    %mul3A_1467 = arith.muli %get3A_1447, %mul3A_1466 : vector<16xi32>
    %add3A_1468 = arith.addi %add3A_1464, %mul3A_1467 : vector<16xi32>
    %mul3A_1469 = arith.constant 8 : i32
    %mul3A_1470 = vector.broadcast %mul3A_1469 : i32 to vector<16xi32>
    %mul3A_1471 = arith.muli %get3A_1454, %mul3A_1470 : vector<16xi32>
    %add3A_1472 = arith.addi %add3A_1468, %mul3A_1471 : vector<16xi32>
    %add3A_1473 = arith.addi %add3A_1472, %get3A_1457 : vector<16xi32>
    %swap3A_1474 = arith.constant 3 : i32
    %swap3A_1475 = arith.index_cast %swap3A_1474 : i32 to index
    %swap3A_1476 = arith.constant 32 : index
    %swap3A_1477 = tpu.vector_load %arg8[%swap3A_1475, %swap3A_1476] {strides = array<i32>} : memref<4x128xi32, #tpu.memory_space<vmem>>, vector<1x16xi32>,
    %swap3A_1478 = vector.shape_cast %swap3A_1477 : vector<1x16xi32> to vector<16xi32>
    %swap3A_1479 = vector.shape_cast %add3A_1473 : vector<16xi32> to vector<1x16xi32>
    tpu.vector_store %arg8[%swap3A_1475, %swap3A_1476], %swap3A_1479 {strides = array<i32>} : memref<4x128xi32, #tpu.memory_space<vmem>>, vector<1x16xi32>,
    %get3A_1480 = arith.constant 3 : i32
    %get3A_1481 = arith.constant 0 : i32
    %get3A_1482 = arith.index_cast %get3A_1480 : i32 to index
    %get3A_1483 = arith.index_cast %get3A_1481 : i32 to index
    %get3A_1484 = arith.constant 48 : index
    %get3A_1485 = tpu.vector_load %arg6[%get3A_1482, %get3A_1483, %get3A_1484] {strides = array<i32>} : memref<4x4x128xi32, #tpu.memory_space<vmem>>, vector<1x1x16xi32>,
    %get3A_1486 = vector.shape_cast %get3A_1485 : vector<1x1x16xi32> to vector<16xi32>
    %get3A_1487 = arith.constant 3 : i32
    %get3A_1488 = arith.constant 1 : i32
    %get3A_1489 = arith.index_cast %get3A_1487 : i32 to index
    %get3A_1490 = arith.index_cast %get3A_1488 : i32 to index
    %get3A_1491 = arith.constant 48 : index
    %get3A_1492 = tpu.vector_load %arg6[%get3A_1489, %get3A_1490, %get3A_1491] {strides = array<i32>} : memref<4x4x128xi32, #tpu.memory_space<vmem>>, vector<1x1x16xi32>,
    %get3A_1493 = vector.shape_cast %get3A_1492 : vector<1x1x16xi32> to vector<16xi32>
    %get3A_1494 = arith.constant 3 : i32
    %get3A_1495 = arith.constant 2 : i32
    %get3A_1496 = arith.index_cast %get3A_1494 : i32 to index
    %get3A_1497 = arith.index_cast %get3A_1495 : i32 to index
    %get3A_1498 = arith.constant 48 : index
    %get3A_1499 = tpu.vector_load %arg6[%get3A_1496, %get3A_1497, %get3A_1498] {strides = array<i32>} : memref<4x4x128xi32, #tpu.memory_space<vmem>>, vector<1x1x16xi32>,
    %get3A_1500 = vector.shape_cast %get3A_1499 : vector<1x1x16xi32> to vector<16xi32>
    %get3A_1501 = arith.constant 3 : i32
    %get3A_1502 = arith.constant 3 : i32
    %get3A_1503 = arith.index_cast %get3A_1501 : i32 to index
    %get3A_1504 = arith.index_cast %get3A_1502 : i32 to index
    %get3A_1505 = arith.constant 48 : index
    %get3A_1506 = tpu.vector_load %arg6[%get3A_1503, %get3A_1504, %get3A_1505] {strides = array<i32>} : memref<4x4x128xi32, #tpu.memory_space<vmem>>, vector<1x1x16xi32>,
    %get3A_1507 = vector.shape_cast %get3A_1506 : vector<1x1x16xi32> to vector<16xi32>
    %get3A_1508 = arith.constant 432 : index
    %get3A_1509 = tpu.vector_load %arg7[%get3A_1508] {strides = array<i32>} : memref<512xi32, #tpu.memory_space<vmem>>, vector<16xi32>,
    %get3A_1510 = vector.shape_cast %get3A_1509 : vector<16xi32> to vector<16xi32>
    %mul3A_1511 = arith.constant 64 : i32
    %mul3A_1512 = vector.broadcast %mul3A_1511 : i32 to vector<16xi32>
    %mul3A_1513 = arith.muli %get3A_1486, %mul3A_1512 : vector<16xi32>
    %mul3A_1514 = arith.constant 32 : i32
    %mul3A_1515 = vector.broadcast %mul3A_1514 : i32 to vector<16xi32>
    %mul3A_1516 = arith.muli %get3A_1493, %mul3A_1515 : vector<16xi32>
    %add3A_1517 = arith.addi %mul3A_1513, %mul3A_1516 : vector<16xi32>
    %mul3A_1518 = arith.constant 16 : i32
    %mul3A_1519 = vector.broadcast %mul3A_1518 : i32 to vector<16xi32>
    %mul3A_1520 = arith.muli %get3A_1500, %mul3A_1519 : vector<16xi32>
    %add3A_1521 = arith.addi %add3A_1517, %mul3A_1520 : vector<16xi32>
    %mul3A_1522 = arith.constant 8 : i32
    %mul3A_1523 = vector.broadcast %mul3A_1522 : i32 to vector<16xi32>
    %mul3A_1524 = arith.muli %get3A_1507, %mul3A_1523 : vector<16xi32>
    %add3A_1525 = arith.addi %add3A_1521, %mul3A_1524 : vector<16xi32>
    %add3A_1526 = arith.addi %add3A_1525, %get3A_1510 : vector<16xi32>
    %swap3A_1527 = arith.constant 3 : i32
    %swap3A_1528 = arith.index_cast %swap3A_1527 : i32 to index
    %swap3A_1529 = arith.constant 48 : index
    %swap3A_1530 = tpu.vector_load %arg8[%swap3A_1528, %swap3A_1529] {strides = array<i32>} : memref<4x128xi32, #tpu.memory_space<vmem>>, vector<1x16xi32>,
    %swap3A_1531 = vector.shape_cast %swap3A_1530 : vector<1x16xi32> to vector<16xi32>
    %swap3A_1532 = vector.shape_cast %add3A_1526 : vector<16xi32> to vector<1x16xi32>
    tpu.vector_store %arg8[%swap3A_1528, %swap3A_1529], %swap3A_1532 {strides = array<i32>} : memref<4x128xi32, #tpu.memory_space<vmem>>, vector<1x16xi32>,
    %get3A_1533 = arith.constant 3 : i32
    %get3A_1534 = arith.constant 0 : i32
    %get3A_1535 = arith.index_cast %get3A_1533 : i32 to index
    %get3A_1536 = arith.index_cast %get3A_1534 : i32 to index
    %get3A_1537 = arith.constant 64 : index
    %get3A_1538 = tpu.vector_load %arg6[%get3A_1535, %get3A_1536, %get3A_1537] {strides = array<i32>} : memref<4x4x128xi32, #tpu.memory_space<vmem>>, vector<1x1x16xi32>,
    %get3A_1539 = vector.shape_cast %get3A_1538 : vector<1x1x16xi32> to vector<16xi32>
    %get3A_1540 = arith.constant 3 : i32
    %get3A_1541 = arith.constant 1 : i32
    %get3A_1542 = arith.index_cast %get3A_1540 : i32 to index
    %get3A_1543 = arith.index_cast %get3A_1541 : i32 to index
    %get3A_1544 = arith.constant 64 : index
    %get3A_1545 = tpu.vector_load %arg6[%get3A_1542, %get3A_1543, %get3A_1544] {strides = array<i32>} : memref<4x4x128xi32, #tpu.memory_space<vmem>>, vector<1x1x16xi32>,
    %get3A_1546 = vector.shape_cast %get3A_1545 : vector<1x1x16xi32> to vector<16xi32>
    %get3A_1547 = arith.constant 3 : i32
    %get3A_1548 = arith.constant 2 : i32
    %get3A_1549 = arith.index_cast %get3A_1547 : i32 to index
    %get3A_1550 = arith.index_cast %get3A_1548 : i32 to index
    %get3A_1551 = arith.constant 64 : index
    %get3A_1552 = tpu.vector_load %arg6[%get3A_1549, %get3A_1550, %get3A_1551] {strides = array<i32>} : memref<4x4x128xi32, #tpu.memory_space<vmem>>, vector<1x1x16xi32>,
    %get3A_1553 = vector.shape_cast %get3A_1552 : vector<1x1x16xi32> to vector<16xi32>
    %get3A_1554 = arith.constant 3 : i32
    %get3A_1555 = arith.constant 3 : i32
    %get3A_1556 = arith.index_cast %get3A_1554 : i32 to index
    %get3A_1557 = arith.index_cast %get3A_1555 : i32 to index
    %get3A_1558 = arith.constant 64 : index
    %get3A_1559 = tpu.vector_load %arg6[%get3A_1556, %get3A_1557, %get3A_1558] {strides = array<i32>} : memref<4x4x128xi32, #tpu.memory_space<vmem>>, vector<1x1x16xi32>,
    %get3A_1560 = vector.shape_cast %get3A_1559 : vector<1x1x16xi32> to vector<16xi32>
    %get3A_1561 = arith.constant 448 : index
    %get3A_1562 = tpu.vector_load %arg7[%get3A_1561] {strides = array<i32>} : memref<512xi32, #tpu.memory_space<vmem>>, vector<16xi32>,
    %get3A_1563 = vector.shape_cast %get3A_1562 : vector<16xi32> to vector<16xi32>
    %mul3A_1564 = arith.constant 64 : i32
    %mul3A_1565 = vector.broadcast %mul3A_1564 : i32 to vector<16xi32>
    %mul3A_1566 = arith.muli %get3A_1539, %mul3A_1565 : vector<16xi32>
    %mul3A_1567 = arith.constant 32 : i32
    %mul3A_1568 = vector.broadcast %mul3A_1567 : i32 to vector<16xi32>
    %mul3A_1569 = arith.muli %get3A_1546, %mul3A_1568 : vector<16xi32>
    %add3A_1570 = arith.addi %mul3A_1566, %mul3A_1569 : vector<16xi32>
    %mul3A_1571 = arith.constant 16 : i32
    %mul3A_1572 = vector.broadcast %mul3A_1571 : i32 to vector<16xi32>
    %mul3A_1573 = arith.muli %get3A_1553, %mul3A_1572 : vector<16xi32>
    %add3A_1574 = arith.addi %add3A_1570, %mul3A_1573 : vector<16xi32>
    %mul3A_1575 = arith.constant 8 : i32
    %mul3A_1576 = vector.broadcast %mul3A_1575 : i32 to vector<16xi32>
    %mul3A_1577 = arith.muli %get3A_1560, %mul3A_1576 : vector<16xi32>
    %add3A_1578 = arith.addi %add3A_1574, %mul3A_1577 : vector<16xi32>
    %add3A_1579 = arith.addi %add3A_1578, %get3A_1563 : vector<16xi32>
    %swap3A_1580 = arith.constant 3 : i32
    %swap3A_1581 = arith.index_cast %swap3A_1580 : i32 to index
    %swap3A_1582 = arith.constant 64 : index
    %swap3A_1583 = tpu.vector_load %arg8[%swap3A_1581, %swap3A_1582] {strides = array<i32>} : memref<4x128xi32, #tpu.memory_space<vmem>>, vector<1x16xi32>,
    %swap3A_1584 = vector.shape_cast %swap3A_1583 : vector<1x16xi32> to vector<16xi32>
    %swap3A_1585 = vector.shape_cast %add3A_1579 : vector<16xi32> to vector<1x16xi32>
    tpu.vector_store %arg8[%swap3A_1581, %swap3A_1582], %swap3A_1585 {strides = array<i32>} : memref<4x128xi32, #tpu.memory_space<vmem>>, vector<1x16xi32>,
    %get3A_1586 = arith.constant 3 : i32
    %get3A_1587 = arith.constant 0 : i32
    %get3A_1588 = arith.index_cast %get3A_1586 : i32 to index
    %get3A_1589 = arith.index_cast %get3A_1587 : i32 to index
    %get3A_1590 = arith.constant 80 : index
    %get3A_1591 = tpu.vector_load %arg6[%get3A_1588, %get3A_1589, %get3A_1590] {strides = array<i32>} : memref<4x4x128xi32, #tpu.memory_space<vmem>>, vector<1x1x16xi32>,
    %get3A_1592 = vector.shape_cast %get3A_1591 : vector<1x1x16xi32> to vector<16xi32>
    %get3A_1593 = arith.constant 3 : i32
    %get3A_1594 = arith.constant 1 : i32
    %get3A_1595 = arith.index_cast %get3A_1593 : i32 to index
    %get3A_1596 = arith.index_cast %get3A_1594 : i32 to index
    %get3A_1597 = arith.constant 80 : index
    %get3A_1598 = tpu.vector_load %arg6[%get3A_1595, %get3A_1596, %get3A_1597] {strides = array<i32>} : memref<4x4x128xi32, #tpu.memory_space<vmem>>, vector<1x1x16xi32>,
    %get3A_1599 = vector.shape_cast %get3A_1598 : vector<1x1x16xi32> to vector<16xi32>
    %get3A_1600 = arith.constant 3 : i32
    %get3A_1601 = arith.constant 2 : i32
    %get3A_1602 = arith.index_cast %get3A_1600 : i32 to index
    %get3A_1603 = arith.index_cast %get3A_1601 : i32 to index
    %get3A_1604 = arith.constant 80 : index
    %get3A_1605 = tpu.vector_load %arg6[%get3A_1602, %get3A_1603, %get3A_1604] {strides = array<i32>} : memref<4x4x128xi32, #tpu.memory_space<vmem>>, vector<1x1x16xi32>,
    %get3A_1606 = vector.shape_cast %get3A_1605 : vector<1x1x16xi32> to vector<16xi32>
    %get3A_1607 = arith.constant 3 : i32
    %get3A_1608 = arith.constant 3 : i32
    %get3A_1609 = arith.index_cast %get3A_1607 : i32 to index
    %get3A_1610 = arith.index_cast %get3A_1608 : i32 to index
    %get3A_1611 = arith.constant 80 : index
    %get3A_1612 = tpu.vector_load %arg6[%get3A_1609, %get3A_1610, %get3A_1611] {strides = array<i32>} : memref<4x4x128xi32, #tpu.memory_space<vmem>>, vector<1x1x16xi32>,
    %get3A_1613 = vector.shape_cast %get3A_1612 : vector<1x1x16xi32> to vector<16xi32>
    %get3A_1614 = arith.constant 464 : index
    %get3A_1615 = tpu.vector_load %arg7[%get3A_1614] {strides = array<i32>} : memref<512xi32, #tpu.memory_space<vmem>>, vector<16xi32>,
    %get3A_1616 = vector.shape_cast %get3A_1615 : vector<16xi32> to vector<16xi32>
    %mul3A_1617 = arith.constant 64 : i32
    %mul3A_1618 = vector.broadcast %mul3A_1617 : i32 to vector<16xi32>
    %mul3A_1619 = arith.muli %get3A_1592, %mul3A_1618 : vector<16xi32>
    %mul3A_1620 = arith.constant 32 : i32
    %mul3A_1621 = vector.broadcast %mul3A_1620 : i32 to vector<16xi32>
    %mul3A_1622 = arith.muli %get3A_1599, %mul3A_1621 : vector<16xi32>
    %add3A_1623 = arith.addi %mul3A_1619, %mul3A_1622 : vector<16xi32>
    %mul3A_1624 = arith.constant 16 : i32
    %mul3A_1625 = vector.broadcast %mul3A_1624 : i32 to vector<16xi32>
    %mul3A_1626 = arith.muli %get3A_1606, %mul3A_1625 : vector<16xi32>
    %add3A_1627 = arith.addi %add3A_1623, %mul3A_1626 : vector<16xi32>
    %mul3A_1628 = arith.constant 8 : i32
    %mul3A_1629 = vector.broadcast %mul3A_1628 : i32 to vector<16xi32>
    %mul3A_1630 = arith.muli %get3A_1613, %mul3A_1629 : vector<16xi32>
    %add3A_1631 = arith.addi %add3A_1627, %mul3A_1630 : vector<16xi32>
    %add3A_1632 = arith.addi %add3A_1631, %get3A_1616 : vector<16xi32>
    %swap3A_1633 = arith.constant 3 : i32
    %swap3A_1634 = arith.index_cast %swap3A_1633 : i32 to index
    %swap3A_1635 = arith.constant 80 : index
    %swap3A_1636 = tpu.vector_load %arg8[%swap3A_1634, %swap3A_1635] {strides = array<i32>} : memref<4x128xi32, #tpu.memory_space<vmem>>, vector<1x16xi32>,
    %swap3A_1637 = vector.shape_cast %swap3A_1636 : vector<1x16xi32> to vector<16xi32>
    %swap3A_1638 = vector.shape_cast %add3A_1632 : vector<16xi32> to vector<1x16xi32>
    tpu.vector_store %arg8[%swap3A_1634, %swap3A_1635], %swap3A_1638 {strides = array<i32>} : memref<4x128xi32, #tpu.memory_space<vmem>>, vector<1x16xi32>,
    %get3A_1639 = arith.constant 3 : i32
    %get3A_1640 = arith.constant 0 : i32
    %get3A_1641 = arith.index_cast %get3A_1639 : i32 to index
    %get3A_1642 = arith.index_cast %get3A_1640 : i32 to index
    %get3A_1643 = arith.constant 96 : index
    %get3A_1644 = tpu.vector_load %arg6[%get3A_1641, %get3A_1642, %get3A_1643] {strides = array<i32>} : memref<4x4x128xi32, #tpu.memory_space<vmem>>, vector<1x1x16xi32>,
    %get3A_1645 = vector.shape_cast %get3A_1644 : vector<1x1x16xi32> to vector<16xi32>
    %get3A_1646 = arith.constant 3 : i32
    %get3A_1647 = arith.constant 1 : i32
    %get3A_1648 = arith.index_cast %get3A_1646 : i32 to index
    %get3A_1649 = arith.index_cast %get3A_1647 : i32 to index
    %get3A_1650 = arith.constant 96 : index
    %get3A_1651 = tpu.vector_load %arg6[%get3A_1648, %get3A_1649, %get3A_1650] {strides = array<i32>} : memref<4x4x128xi32, #tpu.memory_space<vmem>>, vector<1x1x16xi32>,
    %get3A_1652 = vector.shape_cast %get3A_1651 : vector<1x1x16xi32> to vector<16xi32>
    %get3A_1653 = arith.constant 3 : i32
    %get3A_1654 = arith.constant 2 : i32
    %get3A_1655 = arith.index_cast %get3A_1653 : i32 to index
    %get3A_1656 = arith.index_cast %get3A_1654 : i32 to index
    %get3A_1657 = arith.constant 96 : index
    %get3A_1658 = tpu.vector_load %arg6[%get3A_1655, %get3A_1656, %get3A_1657] {strides = array<i32>} : memref<4x4x128xi32, #tpu.memory_space<vmem>>, vector<1x1x16xi32>,
    %get3A_1659 = vector.shape_cast %get3A_1658 : vector<1x1x16xi32> to vector<16xi32>
    %get3A_1660 = arith.constant 3 : i32
    %get3A_1661 = arith.constant 3 : i32
    %get3A_1662 = arith.index_cast %get3A_1660 : i32 to index
    %get3A_1663 = arith.index_cast %get3A_1661 : i32 to index
    %get3A_1664 = arith.constant 96 : index
    %get3A_1665 = tpu.vector_load %arg6[%get3A_1662, %get3A_1663, %get3A_1664] {strides = array<i32>} : memref<4x4x128xi32, #tpu.memory_space<vmem>>, vector<1x1x16xi32>,
    %get3A_1666 = vector.shape_cast %get3A_1665 : vector<1x1x16xi32> to vector<16xi32>
    %get3A_1667 = arith.constant 480 : index
    %get3A_1668 = tpu.vector_load %arg7[%get3A_1667] {strides = array<i32>} : memref<512xi32, #tpu.memory_space<vmem>>, vector<16xi32>,
    %get3A_1669 = vector.shape_cast %get3A_1668 : vector<16xi32> to vector<16xi32>
    %mul3A_1670 = arith.constant 64 : i32
    %mul3A_1671 = vector.broadcast %mul3A_1670 : i32 to vector<16xi32>
    %mul3A_1672 = arith.muli %get3A_1645, %mul3A_1671 : vector<16xi32>
    %mul3A_1673 = arith.constant 32 : i32
    %mul3A_1674 = vector.broadcast %mul3A_1673 : i32 to vector<16xi32>
    %mul3A_1675 = arith.muli %get3A_1652, %mul3A_1674 : vector<16xi32>
    %add3A_1676 = arith.addi %mul3A_1672, %mul3A_1675 : vector<16xi32>
    %mul3A_1677 = arith.constant 16 : i32
    %mul3A_1678 = vector.broadcast %mul3A_1677 : i32 to vector<16xi32>
    %mul3A_1679 = arith.muli %get3A_1659, %mul3A_1678 : vector<16xi32>
    %add3A_1680 = arith.addi %add3A_1676, %mul3A_1679 : vector<16xi32>
    %mul3A_1681 = arith.constant 8 : i32
    %mul3A_1682 = vector.broadcast %mul3A_1681 : i32 to vector<16xi32>
    %mul3A_1683 = arith.muli %get3A_1666, %mul3A_1682 : vector<16xi32>
    %add3A_1684 = arith.addi %add3A_1680, %mul3A_1683 : vector<16xi32>
    %add3A_1685 = arith.addi %add3A_1684, %get3A_1669 : vector<16xi32>
    %swap3A_1686 = arith.constant 3 : i32
    %swap3A_1687 = arith.index_cast %swap3A_1686 : i32 to index
    %swap3A_1688 = arith.constant 96 : index
    %swap3A_1689 = tpu.vector_load %arg8[%swap3A_1687, %swap3A_1688] {strides = array<i32>} : memref<4x128xi32, #tpu.memory_space<vmem>>, vector<1x16xi32>,
    %swap3A_1690 = vector.shape_cast %swap3A_1689 : vector<1x16xi32> to vector<16xi32>
    %swap3A_1691 = vector.shape_cast %add3A_1685 : vector<16xi32> to vector<1x16xi32>
    tpu.vector_store %arg8[%swap3A_1687, %swap3A_1688], %swap3A_1691 {strides = array<i32>} : memref<4x128xi32, #tpu.memory_space<vmem>>, vector<1x16xi32>,
    %get3A_1692 = arith.constant 3 : i32
    %get3A_1693 = arith.constant 0 : i32
    %get3A_1694 = arith.index_cast %get3A_1692 : i32 to index
    %get3A_1695 = arith.index_cast %get3A_1693 : i32 to index
    %get3A_1696 = arith.constant 112 : index
    %get3A_1697 = tpu.vector_load %arg6[%get3A_1694, %get3A_1695, %get3A_1696] {strides = array<i32>} : memref<4x4x128xi32, #tpu.memory_space<vmem>>, vector<1x1x16xi32>,
    %get3A_1698 = vector.shape_cast %get3A_1697 : vector<1x1x16xi32> to vector<16xi32>
    %get3A_1699 = arith.constant 3 : i32
    %get3A_1700 = arith.constant 1 : i32
    %get3A_1701 = arith.index_cast %get3A_1699 : i32 to index
    %get3A_1702 = arith.index_cast %get3A_1700 : i32 to index
    %get3A_1703 = arith.constant 112 : index
    %get3A_1704 = tpu.vector_load %arg6[%get3A_1701, %get3A_1702, %get3A_1703] {strides = array<i32>} : memref<4x4x128xi32, #tpu.memory_space<vmem>>, vector<1x1x16xi32>,
    %get3A_1705 = vector.shape_cast %get3A_1704 : vector<1x1x16xi32> to vector<16xi32>
    %get3A_1706 = arith.constant 3 : i32
    %get3A_1707 = arith.constant 2 : i32
    %get3A_1708 = arith.index_cast %get3A_1706 : i32 to index
    %get3A_1709 = arith.index_cast %get3A_1707 : i32 to index
    %get3A_1710 = arith.constant 112 : index
    %get3A_1711 = tpu.vector_load %arg6[%get3A_1708, %get3A_1709, %get3A_1710] {strides = array<i32>} : memref<4x4x128xi32, #tpu.memory_space<vmem>>, vector<1x1x16xi32>,
    %get3A_1712 = vector.shape_cast %get3A_1711 : vector<1x1x16xi32> to vector<16xi32>
    %get3A_1713 = arith.constant 3 : i32
    %get3A_1714 = arith.constant 3 : i32
    %get3A_1715 = arith.index_cast %get3A_1713 : i32 to index
    %get3A_1716 = arith.index_cast %get3A_1714 : i32 to index
    %get3A_1717 = arith.constant 112 : index
    %get3A_1718 = tpu.vector_load %arg6[%get3A_1715, %get3A_1716, %get3A_1717] {strides = array<i32>} : memref<4x4x128xi32, #tpu.memory_space<vmem>>, vector<1x1x16xi32>,
    %get3A_1719 = vector.shape_cast %get3A_1718 : vector<1x1x16xi32> to vector<16xi32>
    %get3A_1720 = arith.constant 496 : index
    %get3A_1721 = tpu.vector_load %arg7[%get3A_1720] {strides = array<i32>} : memref<512xi32, #tpu.memory_space<vmem>>, vector<16xi32>,
    %get3A_1722 = vector.shape_cast %get3A_1721 : vector<16xi32> to vector<16xi32>
    %mul3A_1723 = arith.constant 64 : i32
    %mul3A_1724 = vector.broadcast %mul3A_1723 : i32 to vector<16xi32>
    %mul3A_1725 = arith.muli %get3A_1698, %mul3A_1724 : vector<16xi32>
    %mul3A_1726 = arith.constant 32 : i32
    %mul3A_1727 = vector.broadcast %mul3A_1726 : i32 to vector<16xi32>
    %mul3A_1728 = arith.muli %get3A_1705, %mul3A_1727 : vector<16xi32>
    %add3A_1729 = arith.addi %mul3A_1725, %mul3A_1728 : vector<16xi32>
    %mul3A_1730 = arith.constant 16 : i32
    %mul3A_1731 = vector.broadcast %mul3A_1730 : i32 to vector<16xi32>
    %mul3A_1732 = arith.muli %get3A_1712, %mul3A_1731 : vector<16xi32>
    %add3A_1733 = arith.addi %add3A_1729, %mul3A_1732 : vector<16xi32>
    %mul3A_1734 = arith.constant 8 : i32
    %mul3A_1735 = vector.broadcast %mul3A_1734 : i32 to vector<16xi32>
    %mul3A_1736 = arith.muli %get3A_1719, %mul3A_1735 : vector<16xi32>
    %add3A_1737 = arith.addi %add3A_1733, %mul3A_1736 : vector<16xi32>
    %add3A_1738 = arith.addi %add3A_1737, %get3A_1722 : vector<16xi32>
    %swap3A_1739 = arith.constant 3 : i32
    %swap3A_1740 = arith.index_cast %swap3A_1739 : i32 to index
    %swap3A_1741 = arith.constant 112 : index
    %swap3A_1742 = tpu.vector_load %arg8[%swap3A_1740, %swap3A_1741] {strides = array<i32>} : memref<4x128xi32, #tpu.memory_space<vmem>>, vector<1x16xi32>,
    %swap3A_1743 = vector.shape_cast %swap3A_1742 : vector<1x16xi32> to vector<16xi32>
    %swap3A_1744 = vector.shape_cast %add3A_1738 : vector<16xi32> to vector<1x16xi32>
    tpu.vector_store %arg8[%swap3A_1740, %swap3A_1741], %swap3A_1744 {strides = array<i32>} : memref<4x128xi32, #tpu.memory_space<vmem>>, vector<1x16xi32>,
    %dma_start3A_1745 = arith.constant 3 : i32
    %dma_start3A_1746 = arith.constant 384 : i32
    %dma_start3A_1747 = arith.constant 0 : i32
    %dma_start3A_1748 = tpu.memref_slice %arg9[%dma_start3A_1746, %dma_start3A_1747] : memref<512x64xf32, #tpu.memory_space<vmem>> -> memref<128x64xf32, #tpu.memory_space<vmem>>
    %dma_start3A_1749 = arith.constant 0 : i32
    %dma_start3A_1750 = tpu.memref_slice %arg8[%dma_start3A_1745, %dma_start3A_1749] : memref<4x128xi32, #tpu.memory_space<vmem>> -> memref<1x128xi32, #tpu.memory_space<vmem>>
    %dma_start3A_1751 = tpu.memref_squeeze %dma_start3A_1750 : memref<1x128xi32, #tpu.memory_space<vmem>> -> memref<128xi32, #tpu.memory_space<vmem>>
    %dma_start3A_1752 = arith.constant 0 : i32
    %dma_start3A_1753 = arith.constant 0 : i32
    %dma_start3A_1754 = tpu.memref_slice %arg10[%dma_start3A_1752, %dma_start3A_1753] : memref<128x64xf32, #tpu.memory_space<vmem_shared>> -> memref<128x64xf32, #tpu.memory_space<vmem_shared>>
    tpu.enqueue_indirect_dma source(%dma_start3A_1754 : memref<128x64xf32, #tpu.memory_space<vmem_shared>>) target(%dma_start3A_1748 : memref<128x64xf32, #tpu.memory_space<vmem>>) offsets(%dma_start3A_1751 : memref<128xi32, #tpu.memory_space<vmem>>) semaphore(%arg12 : memref<!tpu.dma_semaphore, #tpu.memory_space<semaphore_mem>>)
    %dma_wait3A_1755 = arith.constant 0 : i32
    %dma_wait3A_1756 = arith.constant 0 : i32
    %dma_wait3A_1757 = arith.constant 0 : i32
    %dma_wait3A_1758 = tpu.memref_slice %arg9[%dma_wait3A_1756, %dma_wait3A_1757] : memref<512x64xf32, #tpu.memory_space<vmem>> -> memref<128x64xf32, #tpu.memory_space<vmem>>
    %dma_wait3A_1759 = arith.constant 0 : i32
    %dma_wait3A_1760 = tpu.memref_slice %arg8[%dma_wait3A_1755, %dma_wait3A_1759] : memref<4x128xi32, #tpu.memory_space<vmem>> -> memref<1x128xi32, #tpu.memory_space<vmem>>
    %dma_wait3A_1761 = tpu.memref_squeeze %dma_wait3A_1760 : memref<1x128xi32, #tpu.memory_space<vmem>> -> memref<128xi32, #tpu.memory_space<vmem>>
    %dma_wait3A_1762 = arith.constant 0 : i32
    %dma_wait3A_1763 = arith.constant 0 : i32
    %dma_wait3A_1764 = tpu.memref_slice %arg10[%dma_wait3A_1762, %dma_wait3A_1763] : memref<128x64xf32, #tpu.memory_space<vmem_shared>> -> memref<128x64xf32, #tpu.memory_space<vmem_shared>>
    tpu.wait_indirect_dma semaphore(%arg12 : memref<!tpu.dma_semaphore, #tpu.memory_space<semaphore_mem>>) src(%dma_wait3A_1764 : memref<128x64xf32, #tpu.memory_space<vmem_shared>>) dst(%dma_wait3A_1758 : memref<128x64xf32, #tpu.memory_space<vmem>>)
    %add3A_1765 = arith.constant 0 : i32
    %add3A_1766 = arith.addi %mul3A_2, %add3A_1765 : i32
    %dma_start3A_1767 = arith.constant 0 : i32
    %dma_start3A_1768 = arith.constant 0 : i32
    %dma_start3A_1769 = tpu.memref_slice %arg9[%dma_start3A_1767, %dma_start3A_1768] : memref<512x64xf32, #tpu.memory_space<vmem>> -> memref<128x64xf32, #tpu.memory_space<vmem>>
    %dma_start3A_1770 = arith.constant 0 : i32
    %dma_start3A_1771 = tpu.memref_slice %arg5[%add3A_1766, %dma_start3A_1770] : memref<16384x128xf32, #tpu.memory_space<hbm>> -> memref<128x64xf32, #tpu.memory_space<hbm>>
    %dma_start3A_1772 = arith.constant 0 : i32
    %dma_start3A_1773 = tpu.memref_slice %arg5[%add3A_1766, %dma_start3A_1772] : memref<16384x128xf32, #tpu.memory_space<hbm>> -> memref<128x64xf32, #tpu.memory_space<hbm>>
    %dma_start3A_1774 = arith.constant 0 : i32
    %dma_start3A_1775 = arith.constant 0 : i32
    %dma_start3A_1776 = tpu.memref_slice %arg9[%dma_start3A_1774, %dma_start3A_1775] : memref<512x64xf32, #tpu.memory_space<vmem>> -> memref<128x64xf32, #tpu.memory_space<vmem>>
    tpu.enqueue_dma source(%dma_start3A_1776 : memref<128x64xf32, #tpu.memory_space<vmem>>) target(%dma_start3A_1773 : memref<128x64xf32, #tpu.memory_space<hbm>>) target_semaphore(%arg11 : memref<!tpu.dma_semaphore, #tpu.memory_space<semaphore_mem>>)
    %dma_wait3A_1777 = arith.constant 1 : i32
    %dma_wait3A_1778 = arith.constant 128 : i32
    %dma_wait3A_1779 = arith.constant 0 : i32
    %dma_wait3A_1780 = tpu.memref_slice %arg9[%dma_wait3A_1778, %dma_wait3A_1779] : memref<512x64xf32, #tpu.memory_space<vmem>> -> memref<128x64xf32, #tpu.memory_space<vmem>>
    %dma_wait3A_1781 = arith.constant 0 : i32
    %dma_wait3A_1782 = tpu.memref_slice %arg8[%dma_wait3A_1777, %dma_wait3A_1781] : memref<4x128xi32, #tpu.memory_space<vmem>> -> memref<1x128xi32, #tpu.memory_space<vmem>>
    %dma_wait3A_1783 = tpu.memref_squeeze %dma_wait3A_1782 : memref<1x128xi32, #tpu.memory_space<vmem>> -> memref<128xi32, #tpu.memory_space<vmem>>
    %dma_wait3A_1784 = arith.constant 0 : i32
    %dma_wait3A_1785 = arith.constant 0 : i32
    %dma_wait3A_1786 = tpu.memref_slice %arg10[%dma_wait3A_1784, %dma_wait3A_1785] : memref<128x64xf32, #tpu.memory_space<vmem_shared>> -> memref<128x64xf32, #tpu.memory_space<vmem_shared>>
    tpu.wait_indirect_dma semaphore(%arg12 : memref<!tpu.dma_semaphore, #tpu.memory_space<semaphore_mem>>) src(%dma_wait3A_1786 : memref<128x64xf32, #tpu.memory_space<vmem_shared>>) dst(%dma_wait3A_1780 : memref<128x64xf32, #tpu.memory_space<vmem>>)
    %add3A_1787 = arith.constant 128 : i32
    %add3A_1788 = arith.addi %mul3A_2, %add3A_1787 : i32
    %dma_start3A_1789 = arith.constant 128 : i32
    %dma_start3A_1790 = arith.constant 0 : i32
    %dma_start3A_1791 = tpu.memref_slice %arg9[%dma_start3A_1789, %dma_start3A_1790] : memref<512x64xf32, #tpu.memory_space<vmem>> -> memref<128x64xf32, #tpu.memory_space<vmem>>
    %dma_start3A_1792 = arith.constant 0 : i32
    %dma_start3A_1793 = tpu.memref_slice %arg5[%add3A_1788, %dma_start3A_1792] : memref<16384x128xf32, #tpu.memory_space<hbm>> -> memref<128x64xf32, #tpu.memory_space<hbm>>
    %dma_start3A_1794 = arith.constant 0 : i32
    %dma_start3A_1795 = tpu.memref_slice %arg5[%add3A_1788, %dma_start3A_1794] : memref<16384x128xf32, #tpu.memory_space<hbm>> -> memref<128x64xf32, #tpu.memory_space<hbm>>
    %dma_start3A_1796 = arith.constant 128 : i32
    %dma_start3A_1797 = arith.constant 0 : i32
    %dma_start3A_1798 = tpu.memref_slice %arg9[%dma_start3A_1796, %dma_start3A_1797] : memref<512x64xf32, #tpu.memory_space<vmem>> -> memref<128x64xf32, #tpu.memory_space<vmem>>
    tpu.enqueue_dma source(%dma_start3A_1798 : memref<128x64xf32, #tpu.memory_space<vmem>>) target(%dma_start3A_1795 : memref<128x64xf32, #tpu.memory_space<hbm>>) target_semaphore(%arg11 : memref<!tpu.dma_semaphore, #tpu.memory_space<semaphore_mem>>)
    %dma_wait3A_1799 = arith.constant 2 : i32
    %dma_wait3A_1800 = arith.constant 256 : i32
    %dma_wait3A_1801 = arith.constant 0 : i32
    %dma_wait3A_1802 = tpu.memref_slice %arg9[%dma_wait3A_1800, %dma_wait3A_1801] : memref<512x64xf32, #tpu.memory_space<vmem>> -> memref<128x64xf32, #tpu.memory_space<vmem>>
    %dma_wait3A_1803 = arith.constant 0 : i32
    %dma_wait3A_1804 = tpu.memref_slice %arg8[%dma_wait3A_1799, %dma_wait3A_1803] : memref<4x128xi32, #tpu.memory_space<vmem>> -> memref<1x128xi32, #tpu.memory_space<vmem>>
    %dma_wait3A_1805 = tpu.memref_squeeze %dma_wait3A_1804 : memref<1x128xi32, #tpu.memory_space<vmem>> -> memref<128xi32, #tpu.memory_space<vmem>>
    %dma_wait3A_1806 = arith.constant 0 : i32
    %dma_wait3A_1807 = arith.constant 0 : i32
    %dma_wait3A_1808 = tpu.memref_slice %arg10[%dma_wait3A_1806, %dma_wait3A_1807] : memref<128x64xf32, #tpu.memory_space<vmem_shared>> -> memref<128x64xf32, #tpu.memory_space<vmem_shared>>
    tpu.wait_indirect_dma semaphore(%arg12 : memref<!tpu.dma_semaphore, #tpu.memory_space<semaphore_mem>>) src(%dma_wait3A_1808 : memref<128x64xf32, #tpu.memory_space<vmem_shared>>) dst(%dma_wait3A_1802 : memref<128x64xf32, #tpu.memory_space<vmem>>)
    %add3A_1809 = arith.constant 256 : i32
    %add3A_1810 = arith.addi %mul3A_2, %add3A_1809 : i32
    %dma_start3A_1811 = arith.constant 256 : i32
    %dma_start3A_1812 = arith.constant 0 : i32
    %dma_start3A_1813 = tpu.memref_slice %arg9[%dma_start3A_1811, %dma_start3A_1812] : memref<512x64xf32, #tpu.memory_space<vmem>> -> memref<128x64xf32, #tpu.memory_space<vmem>>
    %dma_start3A_1814 = arith.constant 0 : i32
    %dma_start3A_1815 = tpu.memref_slice %arg5[%add3A_1810, %dma_start3A_1814] : memref<16384x128xf32, #tpu.memory_space<hbm>> -> memref<128x64xf32, #tpu.memory_space<hbm>>
    %dma_start3A_1816 = arith.constant 0 : i32
    %dma_start3A_1817 = tpu.memref_slice %arg5[%add3A_1810, %dma_start3A_1816] : memref<16384x128xf32, #tpu.memory_space<hbm>> -> memref<128x64xf32, #tpu.memory_space<hbm>>
    %dma_start3A_1818 = arith.constant 256 : i32
    %dma_start3A_1819 = arith.constant 0 : i32
    %dma_start3A_1820 = tpu.memref_slice %arg9[%dma_start3A_1818, %dma_start3A_1819] : memref<512x64xf32, #tpu.memory_space<vmem>> -> memref<128x64xf32, #tpu.memory_space<vmem>>
    tpu.enqueue_dma source(%dma_start3A_1820 : memref<128x64xf32, #tpu.memory_space<vmem>>) target(%dma_start3A_1817 : memref<128x64xf32, #tpu.memory_space<hbm>>) target_semaphore(%arg11 : memref<!tpu.dma_semaphore, #tpu.memory_space<semaphore_mem>>)
    %dma_wait3A_1821 = arith.constant 3 : i32
    %dma_wait3A_1822 = arith.constant 384 : i32
    %dma_wait3A_1823 = arith.constant 0 : i32
    %dma_wait3A_1824 = tpu.memref_slice %arg9[%dma_wait3A_1822, %dma_wait3A_1823] : memref<512x64xf32, #tpu.memory_space<vmem>> -> memref<128x64xf32, #tpu.memory_space<vmem>>
    %dma_wait3A_1825 = arith.constant 0 : i32
    %dma_wait3A_1826 = tpu.memref_slice %arg8[%dma_wait3A_1821, %dma_wait3A_1825] : memref<4x128xi32, #tpu.memory_space<vmem>> -> memref<1x128xi32, #tpu.memory_space<vmem>>
    %dma_wait3A_1827 = tpu.memref_squeeze %dma_wait3A_1826 : memref<1x128xi32, #tpu.memory_space<vmem>> -> memref<128xi32, #tpu.memory_space<vmem>>
    %dma_wait3A_1828 = arith.constant 0 : i32
    %dma_wait3A_1829 = arith.constant 0 : i32
    %dma_wait3A_1830 = tpu.memref_slice %arg10[%dma_wait3A_1828, %dma_wait3A_1829] : memref<128x64xf32, #tpu.memory_space<vmem_shared>> -> memref<128x64xf32, #tpu.memory_space<vmem_shared>>
    tpu.wait_indirect_dma semaphore(%arg12 : memref<!tpu.dma_semaphore, #tpu.memory_space<semaphore_mem>>) src(%dma_wait3A_1830 : memref<128x64xf32, #tpu.memory_space<vmem_shared>>) dst(%dma_wait3A_1824 : memref<128x64xf32, #tpu.memory_space<vmem>>)
    %add3A_1831 = arith.constant 384 : i32
    %add3A_1832 = arith.addi %mul3A_2, %add3A_1831 : i32
    %dma_start3A_1833 = arith.constant 384 : i32
    %dma_start3A_1834 = arith.constant 0 : i32
    %dma_start3A_1835 = tpu.memref_slice %arg9[%dma_start3A_1833, %dma_start3A_1834] : memref<512x64xf32, #tpu.memory_space<vmem>> -> memref<128x64xf32, #tpu.memory_space<vmem>>
    %dma_start3A_1836 = arith.constant 0 : i32
    %dma_start3A_1837 = tpu.memref_slice %arg5[%add3A_1832, %dma_start3A_1836] : memref<16384x128xf32, #tpu.memory_space<hbm>> -> memref<128x64xf32, #tpu.memory_space<hbm>>
    %dma_start3A_1838 = arith.constant 0 : i32
    %dma_start3A_1839 = tpu.memref_slice %arg5[%add3A_1832, %dma_start3A_1838] : memref<16384x128xf32, #tpu.memory_space<hbm>> -> memref<128x64xf32, #tpu.memory_space<hbm>>
    %dma_start3A_1840 = arith.constant 384 : i32
    %dma_start3A_1841 = arith.constant 0 : i32
    %dma_start3A_1842 = tpu.memref_slice %arg9[%dma_start3A_1840, %dma_start3A_1841] : memref<512x64xf32, #tpu.memory_space<vmem>> -> memref<128x64xf32, #tpu.memory_space<vmem>>
    tpu.enqueue_dma source(%dma_start3A_1842 : memref<128x64xf32, #tpu.memory_space<vmem>>) target(%dma_start3A_1839 : memref<128x64xf32, #tpu.memory_space<hbm>>) target_semaphore(%arg11 : memref<!tpu.dma_semaphore, #tpu.memory_space<semaphore_mem>>)
    %dma_wait3A_1843 = arith.constant 0 : i32
    %dma_wait3A_1844 = arith.constant 0 : i32
    %dma_wait3A_1845 = tpu.memref_slice %arg9[%dma_wait3A_1843, %dma_wait3A_1844] : memref<512x64xf32, #tpu.memory_space<vmem>> -> memref<128x64xf32, #tpu.memory_space<vmem>>
    %dma_wait3A_1846 = arith.constant 0 : i32
    %dma_wait3A_1847 = tpu.memref_slice %arg5[%add3A_1766, %dma_wait3A_1846] : memref<16384x128xf32, #tpu.memory_space<hbm>> -> memref<128x64xf32, #tpu.memory_space<hbm>>
    %dma_wait3A_1848 = arith.constant 0 : i32
    %dma_wait3A_1849 = tpu.memref_slice %arg5[%add3A_1766, %dma_wait3A_1848] : memref<16384x128xf32, #tpu.memory_space<hbm>> -> memref<128x64xf32, #tpu.memory_space<hbm>>
    %dma_wait3A_1850 = arith.constant 0 : i32
    %dma_wait3A_1851 = arith.constant 0 : i32
    %dma_wait3A_1852 = tpu.memref_slice %arg9[%dma_wait3A_1850, %dma_wait3A_1851] : memref<512x64xf32, #tpu.memory_space<vmem>> -> memref<128x64xf32, #tpu.memory_space<vmem>>
    tpu.wait_dma2 semaphore(%arg11 : memref<!tpu.dma_semaphore, #tpu.memory_space<semaphore_mem>>) src(%dma_wait3A_1852 : memref<128x64xf32, #tpu.memory_space<vmem>>) dst(%dma_wait3A_1849 : memref<128x64xf32, #tpu.memory_space<hbm>>)
    %dma_wait3A_1853 = arith.constant 128 : i32
    %dma_wait3A_1854 = arith.constant 0 : i32
    %dma_wait3A_1855 = tpu.memref_slice %arg9[%dma_wait3A_1853, %dma_wait3A_1854] : memref<512x64xf32, #tpu.memory_space<vmem>> -> memref<128x64xf32, #tpu.memory_space<vmem>>
    %dma_wait3A_1856 = arith.constant 0 : i32
    %dma_wait3A_1857 = tpu.memref_slice %arg5[%add3A_1788, %dma_wait3A_1856] : memref<16384x128xf32, #tpu.memory_space<hbm>> -> memref<128x64xf32, #tpu.memory_space<hbm>>
    %dma_wait3A_1858 = arith.constant 0 : i32
    %dma_wait3A_1859 = tpu.memref_slice %arg5[%add3A_1788, %dma_wait3A_1858] : memref<16384x128xf32, #tpu.memory_space<hbm>> -> memref<128x64xf32, #tpu.memory_space<hbm>>
    %dma_wait3A_1860 = arith.constant 128 : i32
    %dma_wait3A_1861 = arith.constant 0 : i32
    %dma_wait3A_1862 = tpu.memref_slice %arg9[%dma_wait3A_1860, %dma_wait3A_1861] : memref<512x64xf32, #tpu.memory_space<vmem>> -> memref<128x64xf32, #tpu.memory_space<vmem>>
    tpu.wait_dma2 semaphore(%arg11 : memref<!tpu.dma_semaphore, #tpu.memory_space<semaphore_mem>>) src(%dma_wait3A_1862 : memref<128x64xf32, #tpu.memory_space<vmem>>) dst(%dma_wait3A_1859 : memref<128x64xf32, #tpu.memory_space<hbm>>)
    %dma_wait3A_1863 = arith.constant 256 : i32
    %dma_wait3A_1864 = arith.constant 0 : i32
    %dma_wait3A_1865 = tpu.memref_slice %arg9[%dma_wait3A_1863, %dma_wait3A_1864] : memref<512x64xf32, #tpu.memory_space<vmem>> -> memref<128x64xf32, #tpu.memory_space<vmem>>
    %dma_wait3A_1866 = arith.constant 0 : i32
    %dma_wait3A_1867 = tpu.memref_slice %arg5[%add3A_1810, %dma_wait3A_1866] : memref<16384x128xf32, #tpu.memory_space<hbm>> -> memref<128x64xf32, #tpu.memory_space<hbm>>
    %dma_wait3A_1868 = arith.constant 0 : i32
    %dma_wait3A_1869 = tpu.memref_slice %arg5[%add3A_1810, %dma_wait3A_1868] : memref<16384x128xf32, #tpu.memory_space<hbm>> -> memref<128x64xf32, #tpu.memory_space<hbm>>
    %dma_wait3A_1870 = arith.constant 256 : i32
    %dma_wait3A_1871 = arith.constant 0 : i32
    %dma_wait3A_1872 = tpu.memref_slice %arg9[%dma_wait3A_1870, %dma_wait3A_1871] : memref<512x64xf32, #tpu.memory_space<vmem>> -> memref<128x64xf32, #tpu.memory_space<vmem>>
    tpu.wait_dma2 semaphore(%arg11 : memref<!tpu.dma_semaphore, #tpu.memory_space<semaphore_mem>>) src(%dma_wait3A_1872 : memref<128x64xf32, #tpu.memory_space<vmem>>) dst(%dma_wait3A_1869 : memref<128x64xf32, #tpu.memory_space<hbm>>)
    %dma_wait3A_1873 = arith.constant 384 : i32
    %dma_wait3A_1874 = arith.constant 0 : i32
    %dma_wait3A_1875 = tpu.memref_slice %arg9[%dma_wait3A_1873, %dma_wait3A_1874] : memref<512x64xf32, #tpu.memory_space<vmem>> -> memref<128x64xf32, #tpu.memory_space<vmem>>
    %dma_wait3A_1876 = arith.constant 0 : i32
    %dma_wait3A_1877 = tpu.memref_slice %arg5[%add3A_1832, %dma_wait3A_1876] : memref<16384x128xf32, #tpu.memory_space<hbm>> -> memref<128x64xf32, #tpu.memory_space<hbm>>
    %dma_wait3A_1878 = arith.constant 0 : i32
    %dma_wait3A_1879 = tpu.memref_slice %arg5[%add3A_1832, %dma_wait3A_1878] : memref<16384x128xf32, #tpu.memory_space<hbm>> -> memref<128x64xf32, #tpu.memory_space<hbm>>
    %dma_wait3A_1880 = arith.constant 384 : i32
    %dma_wait3A_1881 = arith.constant 0 : i32
    %dma_wait3A_1882 = tpu.memref_slice %arg9[%dma_wait3A_1880, %dma_wait3A_1881] : memref<512x64xf32, #tpu.memory_space<vmem>> -> memref<128x64xf32, #tpu.memory_space<vmem>>
    tpu.wait_dma2 semaphore(%arg11 : memref<!tpu.dma_semaphore, #tpu.memory_space<semaphore_mem>>) src(%dma_wait3A_1882 : memref<128x64xf32, #tpu.memory_space<vmem>>) dst(%dma_wait3A_1879 : memref<128x64xf32, #tpu.memory_space<hbm>>)
    return
  }
}

module attributes {stable_mosaic.version = 14 : i64} {
  func.func @_table_body(%arg0: memref<16x32xf32, #tpu.memory_space<vmem>>, %arg1: memref<5x32xf32, #tpu.memory_space<vmem>>, %arg2: memref<64x64xf32, #tpu.memory_space<vmem>>, %arg3: memref<1x64xf32, #tpu.memory_space<vmem>>, %arg4: memref<128x128xf32, #tpu.memory_space<vmem>>) attributes {dimension_semantics = [], scalar_prefetch = 0 : i64, scratch_operands = 0 : i64, tpu.core_type = #tpu.core_type<tc>} {
    %get3A = arith.constant 0 : index
    %get3A_0 = arith.constant 0 : index
    %get3A_1 = vector.load %arg2[%get3A, %get3A_0] : memref<64x64xf32, #tpu.memory_space<vmem>>, vector<64x32xf32>
    %get3A_2 = arith.constant 0 : index
    %get3A_3 = arith.constant 32 : index
    %get3A_4 = vector.load %arg2[%get3A_2, %get3A_3] : memref<64x64xf32, #tpu.memory_space<vmem>>, vector<64x32xf32>
    %get3A_5 = arith.constant 0 : index
    %get3A_6 = arith.constant 0 : index
    %get3A_7 = vector.load %arg0[%get3A_5, %get3A_6] : memref<16x32xf32, #tpu.memory_space<vmem>>, vector<16x32xf32>
    %dot_general3A = arith.constant dense<0.000000e+00> : vector<16x64xf32>
    %dot_general3A_8 = tpu.matmul %get3A_7, %get3A_1, %dot_general3A {dimension_numbers = #tpu.dot_dimension_numbers<[1], [1], [0], [0], [0, 0, 1, 0], [], []>, transpose_lhs_hint = false} : vector<16x32xf32>, vector<64x32xf32>, vector<16x64xf32> -> vector<16x64xf32>
    %get3A_9 = arith.constant 0 : index
    %get3A_10 = arith.constant 0 : index
    %get3A_11 = vector.load %arg1[%get3A_9, %get3A_10] : memref<5x32xf32, #tpu.memory_space<vmem>>, vector<5x32xf32>
    %dot_general3A_12 = arith.constant dense<0.000000e+00> : vector<5x64xf32>
    %dot_general3A_13 = tpu.matmul %get3A_11, %get3A_4, %dot_general3A_12 {dimension_numbers = #tpu.dot_dimension_numbers<[1], [1], [0], [0], [0, 0, 1, 0], [], []>, transpose_lhs_hint = false} : vector<5x32xf32>, vector<64x32xf32>, vector<5x64xf32> -> vector<5x64xf32>
    %broadcast_in_dim3A = arith.constant 0.000000e+00 : f32
    %broadcast_in_dim3A_14 = vector.broadcast %broadcast_in_dim3A : f32 to vector<3x64xf32>
    %concatenate3A = tpu.concatenate %dot_general3A_13, %broadcast_in_dim3A_14 in 0 : vector<5x64xf32>, vector<3x64xf32> -> vector<8x64xf32>
    %broadcast_in_dim3A_15 = vector.shape_cast %dot_general3A_8 : vector<16x64xf32> to vector<16x1x64xf32>
    %broadcast_in_dim3A_16 = vector.shape_cast %concatenate3A : vector<8x64xf32> to vector<1x8x64xf32>
    %add3A = vector.broadcast %broadcast_in_dim3A_15 : vector<16x1x64xf32> to vector<16x8x64xf32>
    %add3A_17 = vector.broadcast %broadcast_in_dim3A_16 : vector<1x8x64xf32> to vector<16x8x64xf32>
    %add3A_18 = arith.addf %add3A, %add3A_17 : vector<16x8x64xf32>
    %get3A_19 = arith.constant 0 : index
    %get3A_20 = arith.constant 0 : index
    %get3A_21 = vector.load %arg3[%get3A_19, %get3A_20] : memref<1x64xf32, #tpu.memory_space<vmem>>, vector<1x64xf32>
    %broadcast_in_dim3A_22 = vector.shape_cast %get3A_21 : vector<1x64xf32> to vector<1x1x64xf32>
    %add3A_23 = vector.broadcast %broadcast_in_dim3A_22 : vector<1x1x64xf32> to vector<16x8x64xf32>
    %add3A_24 = arith.addf %add3A_18, %add3A_23 : vector<16x8x64xf32>
    %reshape3A = vector.shape_cast %add3A_24 : vector<16x8x64xf32> to vector<128x64xf32>
    %broadcast_in_dim3A_25 = arith.constant 0.000000e+00 : f32
    %broadcast_in_dim3A_26 = vector.broadcast %broadcast_in_dim3A_25 : f32 to vector<128x64xf32>
    %concatenate3A_27 = tpu.concatenate %reshape3A, %broadcast_in_dim3A_26 in 1 : vector<128x64xf32>, vector<128x64xf32> -> vector<128x128xf32>
    %swap3A = arith.constant 0 : index
    %swap3A_28 = arith.constant 0 : index
    %swap3A_29 = vector.load %arg4[%swap3A, %swap3A_28] : memref<128x128xf32, #tpu.memory_space<vmem>>, vector<128x128xf32>
    tpu.vector_store %arg4[%swap3A, %swap3A_28], %concatenate3A_27 {strides = array<i32>} : memref<128x128xf32, #tpu.memory_space<vmem>>, vector<128x128xf32>,
    return
  }
}

</mosaic_0001>

<sc_bundles>
// kernel: kernel.4.cloned.1.call-start
scs
__scs_entry_jumppad:
0x0: {  	(pc) =	sbr.rel $0x88, $3  }
0x1: {  	(tag) =	ssettag $0x0;
	lr =	simm.s32 $0x1  }
0x2: {  	[smem:$0x3F9B] =	sst lr;
	_ =	strace $0xD0000000  }
0x3: {  	_ = 	snop  }
0x4: {  	_ = 	snop  }
0x5: {  	_ = 	snop  }
0x6: {  	_ = 	snop  }
0x7: {  	_ = 	snop  }
__scs_overlays_trampoline_lowered:
0x8: {  	[smem:$0x3FAA] =	sst s0  }
0x9: {  	[smem:$0x3FAB] =	sst s1  }
0xa: {  	[smem:$0x3FAC] =	sst s2  }
0xb: {  	[smem:$0x3FAD] =	sst s3  }
0xc: {  	[smem:$0x3FAE] =	sst s4  }
0xd: {  	[smem:$0x3FAF] =	sst s5  }
0xe: {  	[smem:$0x3FB0] =	sst s6  }
0xf: {  	[smem:$0x3FB1] =	sst s7  }
0x10: {  	[smem:$0x3FB2] =	sst s8  }
0x11: {  	[smem:$0x3FB3] =	sst s9;
	s0 =	simm.s32 @!p0 $0x0  }
0x12: {  	s1 =	sld [smem:$0x3F99];
	s0 =	simm.s32 @p0 $0x1  }
0x13: {  	[smem:$0x3FB4] =	sst s0;
	s0 =	simm.s32 @!p1 $0x0  }
0x14: {  	s2 =	sld [smem:$0x3F98];
	s0 =	simm.s32 @p1 $0x1  }
0x15: {  	[smem:$0x3FB5] =	sst s0;
	s0 =	simm.s32 @!p2 $0x0  }
0x16: {  	s3 =	sld [smem:$0x3FDB];
	s0 =	simm.s32 @p2 $0x1  }
0x17: {  	s4 =	simm.s32 $0x1BF5;
	[smem:$0x3FB7] =	sst s0  }
0x18: {  	s0 =	sld [smem:$0x3F9A];
	_ =	swait.ge [sflag:s4], $0x0  }
0x19: {  	s7 =	sld [smem:$0x3F9B]  }
0x1a: {  	s8 =	sadd.s32 $0xFFFFE003, lr  }
0x1b: {  	s9 =	sadd.s32 $0xFFFFFEF7, lr;
	s5 =	simm.s32 $0xFFFFFFFF;
	p2 =	slt.u32 s8, $0xFFFFF086  }
0x1c: {  	p1 =	slt.u32 s9, $0xF7A;
	s5 =	simm.s32 @!p2 $0x0  }
0x1d: {  	s5 =	simm.s32 @p1 $0x1;
	p0 =	seq.s32 s7, s2  }
0x1e: {  	s7 =	smul.u32 @!p0 $0xF7A, s2;
	p2 =	seq.s32 @!p0 s5, $0x0  }
0x1f: {  	s9 =	smul.u32 $0xF7A, s1;
	s8 =	simm.s32 @!p0 $0x1BF5;
	p2 =	por !p2, p0  }
0x20: {  	[sflag:s8] =	ssyncset.s32 @!p0 $0xFFFFF086;
	s6 =	sadd.s32 @!p0 s3, s7;
	s7 =	simm.s32 @!p0 $0x108  }
0x21: {  	s3 =	sadd.s32 s3, s9;
	s6 =	sadd.s32 @!p0 $0x88, s6;
	s7 =	simm.s32 @p2 $0x1082  }
0x22: {  	[simem:s7], [sflag:s8] =	dma.local @!p0 [hbm:s6], $0xF7A  }
0x23: {  	s9 =	sor.u32 $0xD0000000, s2;
	s6 =	simm.s32 $0x108;
	_ =	swait.ge @!p0 [sflag:s8], $0x0  }
0x24: {  	s3 =	sadd.s32 $0x88, s3;
	s6 =	simm.s32 @!p1 $0x1082;
	[sflag:s4] =	ssyncset.s32 $0xFFFFF086  }
0x25: {  	[simem:s6], [sflag:s4] =	dma.local [hbm:s3], $0xF7A  }
0x26: {  	[smem:$0x3F9B] =	sst s1;
	(tag) =	ssettag s2;
	_ =	strace s9  }
0x27: {  	s1 =	sld [smem:$0x3FAB]  }
0x28: {  	s2 =	sld [smem:$0x3FAC]  }
0x29: {  	s4 =	sld [smem:$0x3FAE]  }
0x2a: {  	p0 =	seq.s32 s5, $0x0;
	s5 =	sld [smem:$0x3FAF]  }
0x2b: {  	s6 =	sld [smem:$0x3FB0]  }
0x2c: {  	s7 =	sld [smem:$0x3FB1]  }
0x2d: {  	s3 =	simm.s32 $0x108;
	s8 =	sld [smem:$0x3FB2]  }
0x2e: {  	s3 =	simm.s32 @!p0 $0x1082;
	s9 =	sld [smem:$0x3FB3]  }
0x2f: {  	lr =	sadd.s32 s0, s3;
	s0 =	sld [smem:$0x3FAA]  }
0x30: {  	s3 =	sld [smem:$0x3FAD]  }
0x31: {  	[smem:$0x3FB6] =	sst s10  }
0x32: {  	s10 =	sld [smem:$0x3FB4];
	_ =	sdelay $0x3  }
0x33: {  	p0 =	seq.s32 s10, $0x1;
	s10 =	sld [smem:$0x3FB6];
	_ =	sdelay $0x3  }
0x34: {  	[smem:$0x3FB6] =	sst s10  }
0x35: {  	s10 =	sld [smem:$0x3FB5];
	_ =	sdelay $0x3  }
0x36: {  	p1 =	seq.s32 s10, $0x1;
	s10 =	sld [smem:$0x3FB6];
	_ =	sdelay $0x3  }
0x37: {  	[smem:$0x3FB6] =	sst s10  }
0x38: {  	s10 =	sld [smem:$0x3FB7]  }
0x39: {  	_ = 	snop;
	(pc) =	sbr.ind lr, $3  }
0x3a: {  	_ = 	snop  }
0x3b: {  	_ = 	snop  }
0x3c: {  	p2 =	seq.s32 s10, $0x1;
	s10 =	sld [smem:$0x3FB6]  }
0x3d: {  	_ =	shalt  }
0x3e: {  	_ =	shalt  }
0x3f: {  	_ =	shalt  }
0x40: {  	_ =	shalt  }
0x41: {  	_ =	shalt  }
0x42: {  	_ =	shalt  }
0x43: {  	_ =	shalt  }
0x44: {  	_ =	shalt  }
0x45: {  	_ =	shalt  }
0x46: {  	_ =	shalt  }
0x47: {  	_ =	shalt  }
0x48: {  	_ =	shalt  }
0x49: {  	_ =	shalt  }
0x4a: {  	_ =	shalt  }
0x4b: {  	_ =	shalt  }
0x4c: {  	_ =	shalt  }
0x4d: {  	_ =	shalt  }
0x4e: {  	_ =	shalt  }
0x4f: {  	_ =	shalt  }
0x50: {  	_ =	shalt  }
0x51: {  	_ =	shalt  }
0x52: {  	_ =	shalt  }
0x53: {  	_ =	shalt  }
0x54: {  	_ =	shalt  }
0x55: {  	_ =	shalt  }
0x56: {  	_ =	shalt  }
0x57: {  	_ =	shalt  }
0x58: {  	_ =	shalt  }
0x59: {  	_ =	shalt  }
0x5a: {  	_ =	shalt  }
0x5b: {  	_ =	shalt  }
0x5c: {  	_ =	shalt  }
0x5d: {  	_ =	shalt  }
0x5e: {  	_ =	shalt  }
0x5f: {  	_ =	shalt  }
0x60: {  	_ =	shalt  }
0x61: {  	_ =	shalt  }
0x62: {  	_ =	shalt  }
0x63: {  	_ =	shalt  }
0x64: {  	_ =	shalt  }
0x65: {  	_ =	shalt  }
0x66: {  	_ =	shalt  }
0x67: {  	_ =	shalt  }
0x68: {  	_ =	shalt  }
0x69: {  	_ =	shalt  }
0x6a: {  	_ =	shalt  }
0x6b: {  	_ =	shalt  }
0x6c: {  	_ =	shalt  }
0x6d: {  	_ =	shalt  }
0x6e: {  	_ =	shalt  }
0x6f: {  	_ =	shalt  }
0x70: {  	_ =	shalt  }
0x71: {  	_ =	shalt  }
0x72: {  	_ =	shalt  }
0x73: {  	_ =	shalt  }
0x74: {  	_ =	shalt  }
0x75: {  	_ =	shalt  }
0x76: {  	_ =	shalt  }
0x77: {  	_ =	shalt  }
0x78: {  	_ =	shalt  }
0x79: {  	_ =	shalt  }
0x7a: {  	_ =	shalt  }
0x7b: {  	_ =	shalt  }
0x7c: {  	_ =	shalt  }
0x7d: {  	_ =	shalt  }
0x7e: {  	_ =	shalt  }
0x7f: {  	_ =	shalt  }
0x80: {  	_ =	shalt  }
0x81: {  	_ =	shalt  }
0x82: {  	_ =	shalt  }
0x83: {  	_ =	shalt  }
0x84: {  	_ =	shalt  }
0x85: {  	_ =	shalt  }
0x86: {  	_ =	shalt  }
0x87: {  	_ =	shalt  }
.Lfunc_end0:
.L_simem_size_0:
called_computation_lowered:
.L_overlay_start_0:
0x88: {  	s2 =	sld [smem:$0x3FD9]  }
0x89: {  	s3 =	sld [smem:$0x3FFE];
	_ =	sdelay $0x1  }
0x8a: {  	s1 =	srdreg.scid  }
0x8b: {  	s0 =	sand.u32 $0x1, s1  }
0x8c: {  	s17 =	sshll.u32 s0, $0xA;
	s2 =	sadd.s32 s3, s2  }
0x8d: {  	s2 =	sadd.s32 s2, s17  }
0x8e: {  	[smem:$0x3FC2] =	sst s2  }
0x8f: {  	_ = 	snop  }
0x90: {  	s2 =	sld [smem:$0x3FC9]  }
0x91: {  	s18 =	sld [smem:$0x3FC8]  }
0x92: {  	s4 =	sld [smem:$0x3FD0];
	(tm) =	ssettm $0x1  }
0x93: {  	s5 =	sld [smem:$0x3FFB];
	_ =	sdelay $0x3  }
0x94: {  	_ =	strace s5  }
0x95: {  	s5 =	sld [smem:$0x3FFC];
	_ =	sdelay $0x3  }
0x96: {  	_ =	strace s5  }
0x97: {  	s5 =	sld [smem:$0x3FFD];
	_ =	sdelay $0x3  }
0x98: {  	_ =	strace s5  }
0x99: {  	_ =	strace $0x8FFFFFFF  }
0x9a: {  	s19 =	sld [smem:$0x3FDB];
	_ =	sdelay $0x1  }
0x9b: {  	s6 =	simm.s32 $_scs_section_size  }
0x9c: {  	s7 =	simm.s32 $_size__tile_overlayer_lowered;
	s8 =	simm.s32 $_tile_overlayer_lowered  }
0x9d: {  	s22 =	simm.s32 $0x1BFF;
	s21 =	sshll.u32 s8, $0x1;
	s5 =	sadd.s32 s6, s19  }
0x9e: {  	s9 =	simm.s32 $0x0;
	s20 =	sshll.u32 s7, $0x1;
	s7 =	sadd.s32 s21, s5  }
0x9f: {  	[timem:s9], [sflag:s22] =	dma.local [hbm:s7], s20  }
0xa0: {  	_ =	swait.ge [sflag:s22], s20  }
0xa1: {  	s6 =	ssub.s32 $0x0, s20;
	[sflag:s22] =	ssyncset.done $0x0  }
0xa2: {  	[sflag:s22] =	ssyncadd.s32 s6;
	_ =	sdelay $0x1  }
0xa3: {  	s23 =	simm.s32 $0x1B8B  }
0xa4: {  	_ =	swait.ge [sflag:s23], $0x1  }
0xa5: {  	[sflag:s23] =	ssyncset.done $0x0  }
0xa6: {  	s25 =	simm.s32 $0x1B8E;
	s24 =	sld [smem:$0x3FFE];
	[sflag:s23] =	ssyncadd.s32 $0xFFFFFFFF  }
0xa7: {  	s26 =	simm.s32 $execute0_lowered;
	[smem:$0x3FD2] =	sst s25  }
0xa8: {  	s7 =	sshll.u32 s26, $0x1;
	_ =	strace $0x80000046;
	[dreg:$0x1] =	wrdreg $0xFFFFFFFF  }
0xa9: {  	s28 =	simm.s32 $_size_execute0_lowered;
	s5 =	sadd.s32 s5, s7;
	[dreg:$0x0] =	wrdreg $0x0  }
0xaa: {  	s7 =	sshll.u32 s28, $0x1;
	[dreg:$0x2] =	wrdreg s5  }
0xab: {  	[dreg:$0x3] =	wrdreg s7  }
0xac: {  	[dreg:$0x4] =	wrdreg $0xC0  }
0xad: {  	_ =	task [dreg:s9], $0x5FFFF  }
0xae: {  	[dreg:$0x1] =	wrdreg $0xFFFFFFFF  }
0xaf: {  	[dreg:$0x0] =	wrdreg $0x60  }
0xb0: {  	[dreg:$0x2] =	wrdreg s2  }
0xb1: {  	[dreg:$0x3] =	wrdreg s18  }
0xb2: {  	[dreg:$0x4] =	wrdreg s4  }
0xb3: {  	[dreg:$0x5] =	wrdreg s24  }
0xb4: {  	[dreg:$0x6] =	wrdreg $0x8C000  }
0xb5: {  	[dreg:$0x7] =	wrdreg $0x9  }
0xb6: {  	_ =	task.clear_ibuf [dreg:s9], $0x8FFFF;
	_ =	strace $0x90000046  }
0xb7: {  	s29 =	simm.s32 $0x9;
	_ =	strace $0x80000048  }
0xb8: {  	_ =	swait.ge [sflag:s29], $0x1  }
0xb9: {  	[sflag:s29] =	ssyncadd.s32 $0xFFFFFFFF  }
0xba: {  	_ =	strace $0x90000048  }
0xbb: {  	_ =	sfence  }
0xbc: {  	s30 =	sld [smem:$0x0];
	_ =	sdelay $0x2  }
0xbd: {  	s31 =	sshll.u32 s1, $0xD;
	s1 =	sshrl.u32 s1, $0x2  }
0xbe: {  	s3 =	sand.u32 $0x4000, s31;
	s1 =	sadd.s32 s1, s30  }
0xbf: {  	s0 =	sor.u32 s3, s0;
	s1 =	sshll.u32 s1, $0x11  }
0xc0: {  	s0 =	sor.u32 s1, s0  }
0xc1: {  	s0 =	sadd.s32 $0x8F2B, s0  }
0xc2: {  	[sflag:s0] =	ssyncadd.remote.s32 $0x1  }
0xc3: {  	_ =	sfence.sel $0xFFFF  }
0xc4: {  	[dreg:$0x0] =	wrdreg $0xFFFFFFFF;
	(pc) =	sbr.abs _section_cstart, $3  }
0xc5: {  	[dreg:$0x1] =	wrdreg $0xFFFFFFFF  }
0xc6: {  	_ =	task.clear_ibuf [dreg:s9], $0x2FFFF;
	_ =	strace $0x9FFFFFFF  }
0xc7: {  	(tm) =	ssettm $0x7FFFFFFF  }
tec
execute0_lowered:
.L_overlay_start_1:
0x0: {  	(tag) =	ssettag $0x1  }
0x1: {  	s4 =	rddreg [dreg:$0x0]  }
0x2: {  	s5 =	rddreg [dreg:$0x1]  }
0x3: {  	s1 =	rddreg [dreg:$0x2]  }
0x4: {  	s6 =	rddreg [dreg:$0x3]  }
0x5: {  	s2 =	rddreg [dreg:$0x4]  }
0x6: {  	s0 =	rddreg [dreg:$0x5];
	s7 =	srdreg.scid  }
0x7: {  	s10 =	stileid.u32;
	s3 =	simm.s32 $0x0;
	s13 =	simm.s32 $0x1  }
0x8: {  	s14 =	simm.s32 $0x80;
	s15 =	simm.s32 $0xA00;
	s16 =	simm.s32 $0xC00  }
0x9: {  	s17 =	simm.s32 $0xA80;
	s18 =	simm.s32 $0x2C00;
	s19 =	simm.s32 $0xB00  }
0xa: {  	s20 =	simm.s32 $0x4C00;
	s21 =	simm.s32 $0xB80;
	s22 =	simm.s32 $0x6C00  }
0xb: {  	s23 =	simm.s32 $0x2;
	s24 =	simm.s32 $0x40;
	s7 =	sand.u32 $0x1, s7  }
0xc: {  	s8 =	sshll.u32 s10, $0x1;
	[smem:$0x7FF] =	sst s3;
	p0 =	sne.s32 s10, $0x0  }
0xd: {  	s8 =	sor.u32 s7, s8;
	_ =	strace $0x80000047;
	s7 =	ssub.s32 $0x2, s7  }
0xe: {  	s9 =	sshll.u32 s8, $0xD;
	s30 =	sshrl.u32 s7, $0x1;
	s11 =	sshll.u32 s8, $0x8  }
0xf: {  	s31 =	sshll.u32 s8, $0x6;
	s9 =	sadd.s32 s9, s6;
	s12 =	ssub.s32 s7, s30  }
0x10: {  	s4 =	sadd.s32 s4, s11;
	s5 =	sadd.s32 s5, s31;
	s11 =	sshrl.u32 @!p0 s2, $0x3  }
0x11: {  	s6 =	sadd.s32 $0xE00, s9;
	s7 =	sadd.s32 $0x1600, s9;
	s8 =	sadd.s32 $0x1E00, s9  }
0x12: {  	s9 =	sadd.s32 $0x2600, s9;
	s10 =	smax.u32 s12, $0x1;
	s12 =	simm.s32 $0x800  }
.LBB2_1:
0x13: {  	s25 =	simm.s32 @!p0 $0x1  }
0x14: {  	s26 =	simm.s32 @!p0 $0x8;
	s28 =	simm.s32 @!p0 $0x10;
	s29 =	simm.s32 @!p0 $0x1C03  }
0x15: {  	[spmem:s11@s26], [sflag:s29] =	dma.strided @!p0 [hbm:s1@s28], $0x400, s25, $0x8   }
0x16: {  	s25 =	simm.s32 @!p0 $0x3  }
0x17: {  	_ =	swait.ge @!p0 [sflag:s25], $0x400  }
0x18: {  	[sflag:s25] =	ssyncset.done @!p0 $0x0  }
0x19: {  	[sflag:s25] =	ssyncadd.s32 @!p0 $0xFFFFFC00  }
0x1a: {  	[tilespmem:s3], [sflag:$0x1] =	stream.linear.gather [hbm4b:s4+s3], $0x800, $0x38;
	[tilespmem:$0x8E00] =	vst v63  }
0x1b: {  	_ = 	snop  }
0x1c: {  	[tilespmem:s12], [sflag:$0x1] =	stream.linear.gather [hbm4b:s5+s3], $0x200, $0x38;
	[tilespmem:$0x8E00] =	vst v63  }
0x1d: {  	_ =	swait.ge [sflag:s13], $0x800  }
0x1e: {  	[sflag:s13] =	ssyncset.done $0x0  }
0x1f: {  	[sflag:s13] =	ssyncadd.s32 $0xFFFFF800  }
0x20: {  	_ =	swait.ge [sflag:s13], $0x200  }
0x21: {  	[sflag:s13] =	ssyncset.done $0x0  }
0x22: {  	[sflag:s13] =	ssyncadd.s32 $0xFFFFFE00  }
0x23: {  	v0 =	vld [tilespmem:$0x0]  }
0x24: {  	v1 =	vld [tilespmem:$0x80]  }
0x25: {  	v2 =	vld [tilespmem:$0x100]  }
0x26: {  	v3 =	vld [tilespmem:$0x180]  }
0x27: {  	v4 =	vld [tilespmem:$0x800]  }
0x28: {  	v5 =	vld [tilespmem:$0x10]  }
0x29: {  	v6 =	vld [tilespmem:$0x90]  }
0x2a: {  	v7 =	vld [tilespmem:$0x110]  }
0x2b: {  	v8 =	vld [tilespmem:$0x190]  }
0x2c: {  	v9 =	vld [tilespmem:$0x810]  }
0x2d: {  	v10 =	vld [tilespmem:$0x20]  }
0x2e: {  	v11 =	vld [tilespmem:$0xA0]  }
0x2f: {  	v12 =	vld [tilespmem:$0x120]  }
0x30: {  	v13 =	vld [tilespmem:$0x1A0]  }
0x31: {  	v15 =	vld [tilespmem:$0x30]  }
0x32: {  	v16 =	vld [tilespmem:$0xB0]  }
0x33: {  	v17 =	vld [tilespmem:$0x130]  }
0x34: {  	v18 =	vld [tilespmem:$0x1B0]  }
0x35: {  	v20 =	vld [tilespmem:$0x40]  }
0x36: {  	v21 =	vld [tilespmem:$0xC0]  }
0x37: {  	v53 =	vld [tilespmem:$0x140]  }
0x38: {  	v62 =	vld [tilespmem:$0x150]  }
0x39: {  	v24 =	vld [tilespmem:$0x1D0]  }
0x3a: {  	v29 =	vld [tilespmem:$0x60];
	v0 =	vshll.u32 v0, $0x6  }
0x3b: {  	v34 =	vld [tilespmem:$0x160];
	v1 =	vshll.u32 v1, $0x5;
	v52 =	vshll.u32 v2, $0x4;
	v3 =	vshll.u32 v3, $0x3  }
0x3c: {  	v37 =	vld [tilespmem:$0x70];
	v5 =	vshll.u32 v5, $0x6;
	v6 =	vshll.u32 v6, $0x5;
	v56 =	vshll.u32 v7, $0x4  }
0x3d: {  	v38 =	vld [tilespmem:$0xF0];
	v59 =	vshll.u32 v8, $0x3;
	v60 =	vshll.u32 v10, $0x6;
	v61 =	vshll.u32 v11, $0x5  }
0x3e: {  	v41 =	vld [tilespmem:$0x170];
	v23 =	vshll.u32 v12, $0x4;
	v25 =	vshll.u32 v15, $0x6;
	v26 =	vshll.u32 v16, $0x5  }
0x3f: {  	v54 =	vld [tilespmem:$0x1C0];
	v13 =	vshll.u32 v13, $0x3;
	v28 =	vshll.u32 v17, $0x4;
	v31 =	vshll.u32 v18, $0x3  }
0x40: {  	v57 =	vld [tilespmem:$0x50];
	v32 =	vshll.u32 v20, $0x6;
	v33 =	vshll.u32 v21, $0x5;
	v2 =	vshll.u32 v53, $0x4  }
0x41: {  	v14 =	vld [tilespmem:$0x820];
	v40 =	vshll.u32 v62, $0x4;
	v42 =	vshll.u32 v24, $0x3;
	v46 =	vshll.u32 v29, $0x6  }
0x42: {  	v36 =	vld [tilespmem:$0x1E0];
	v48 =	vshll.u32 v34, $0x4;
	v50 =	vshll.u32 v37, $0x6;
	v51 =	vshll.u32 v38, $0x5  }
0x43: {  	v19 =	vld [tilespmem:$0x830];
	v53 =	vshll.u32 v41, $0x4;
	v0 =	vadd.s32 v0, v1;
	v55 =	vadd.s32 v5, v6  }
0x44: {  	v43 =	vld [tilespmem:$0x1F0];
	v63 =	vadd.s32 v60, v61;
	v7 =	vadd.s32 v25, v26;
	v35 =	vadd.s32 v32, v33  }
0x45: {  	v58 =	vld [tilespmem:$0xD0];
	v1 =	vshll.u32 v54, $0x3;
	v6 =	vshll.u32 v57, $0x6;
	v0 =	vadd.s32 v52, v0  }
0x46: {  	v22 =	vld [tilespmem:$0x840];
	v5 =	vadd.s32 v23, v63;
	v7 =	vadd.s32 v28, v7;
	v2 =	vadd.s32 v2, v35  }
0x47: {  	v30 =	vld [tilespmem:$0xE0];
	v52 =	vshll.u32 v36, $0x3;
	v0 =	vadd.s32 v3, v0;
	v3 =	vadd.s32 v56, v55  }
0x48: {  	v5 =	vadd.s32 v13, v5;
	v7 =	vadd.s32 v31, v7;
	v1 =	vadd.s32 v1, v2  }
0x49: {  	v27 =	vld [tilespmem:$0x850];
	v56 =	vshll.u32 v43, $0x3;
	v0 =	vadd.s32 v4, v0;
	v3 =	vadd.s32 v59, v3  }
0x4a: {  	v49 =	vld [tilespmem:$0x870];
	v5 =	vadd.s32 v14, v5;
	v7 =	vadd.s32 v19, v7;
	v4 =	vshll.u32 v58, $0x5;
	[tilespmem:$0xA00] =	vst v0  }
0x4b: {  	v45 =	vld [tilespmem:$0x860];
	v1 =	vadd.s32 v22, v1;
	v3 =	vadd.s32 v9, v3;
	v39 =	vadd.s32 v6, v4;
	[tilespmem:$0xA20] =	vst v5  }
0x4c: {  	v9 =	vshll.u32 v30, $0x5;
	[tilespmem:$0xA30] =	vst v7;
	v4 =	vadd.s32 v50, v51;
	v2 =	vadd.s32 v40, v39  }
0x4d: {  	[tilespmem:$0xA40] =	vst v1;
	v47 =	vadd.s32 v46, v9;
	v55 =	vadd.s32 v53, v4;
	v44 =	vadd.s32 v42, v2  }
0x4e: {  	[tilespmem:$0xA10] =	vst v3;
	v3 =	vadd.s32 v48, v47;
	v58 =	vadd.s32 v56, v55;
	v0 =	vadd.s32 v27, v44  }
0x4f: {  	v54 =	vadd.s32 v52, v3;
	v59 =	vadd.s32 v49, v58;
	[tilespmem:$0xA50] =	vst v0  }
0x50: {  	v57 =	vadd.s32 v45, v54;
	[tilespmem:$0xA70] =	vst v59  }
0x51: {  	[tilespmem:$0xA60] =	vst v57  }
0x52: {  	[bflag:$0x0] =	sbarrier.arrive $0xFFFF  }
0x53: {  	[tilespmem:s16], [sflag:$0x2] =	stream.indirect.gather [spmem:s2], $0x40, s15, s14, $0xb8;
	[tilespmem:$0x8E00] =	vst v63  }
0x54: {  	v60 =	vld [tilespmem:$0x200]  }
0x55: {  	v61 =	vld [tilespmem:$0x280]  }
0x56: {  	v62 =	vld [tilespmem:$0x300]  }
0x57: {  	v63 =	vld [tilespmem:$0x380]  }
0x58: {  	v24 =	vld [tilespmem:$0x880]  }
0x59: {  	v25 =	vld [tilespmem:$0x210]  }
0x5a: {  	v26 =	vld [tilespmem:$0x290]  }
0x5b: {  	v27 =	vld [tilespmem:$0x310]  }
0x5c: {  	v28 =	vld [tilespmem:$0x390]  }
0x5d: {  	v29 =	vld [tilespmem:$0x890]  }
0x5e: {  	v30 =	vld [tilespmem:$0x220]  }
0x5f: {  	v31 =	vld [tilespmem:$0x2A0]  }
0x60: {  	v32 =	vld [tilespmem:$0x320]  }
0x61: {  	v33 =	vld [tilespmem:$0x3A0]  }
0x62: {  	v34 =	vld [tilespmem:$0x8A0]  }
0x63: {  	v35 =	vld [tilespmem:$0x230]  }
0x64: {  	v36 =	vld [tilespmem:$0x2B0]  }
0x65: {  	v37 =	vld [tilespmem:$0x330]  }
0x66: {  	v38 =	vld [tilespmem:$0x3B0]  }
0x67: {  	v40 =	vld [tilespmem:$0x240]  }
0x68: {  	v41 =	vld [tilespmem:$0x2C0]  }
0x69: {  	v43 =	vld [tilespmem:$0x340]  }
0x6a: {  	v49 =	vld [tilespmem:$0x2D0];
	v0 =	vshll.u32 v60, $0x6  }
0x6b: {  	v56 =	vld [tilespmem:$0x3D0];
	v1 =	vshll.u32 v61, $0x5;
	v42 =	vshll.u32 v62, $0x4;
	v3 =	vshll.u32 v63, $0x3  }
0x6c: {  	v23 =	vld [tilespmem:$0x360];
	v5 =	vshll.u32 v25, $0x6;
	v6 =	vshll.u32 v26, $0x5;
	v47 =	vshll.u32 v27, $0x4  }
0x6d: {  	v44 =	vld [tilespmem:$0x3C0];
	v50 =	vshll.u32 v28, $0x3;
	v51 =	vshll.u32 v30, $0x6;
	v52 =	vshll.u32 v31, $0x5  }
0x6e: {  	v48 =	vld [tilespmem:$0x250];
	v55 =	vshll.u32 v32, $0x4;
	v57 =	vshll.u32 v35, $0x6;
	v58 =	vshll.u32 v36, $0x5  }
0x6f: {  	v39 =	vld [tilespmem:$0x8B0];
	v13 =	vshll.u32 v33, $0x3;
	v60 =	vshll.u32 v37, $0x4;
	v63 =	vshll.u32 v38, $0x3  }
0x70: {  	v53 =	vld [tilespmem:$0x350];
	v20 =	vshll.u32 v40, $0x6;
	v21 =	vshll.u32 v41, $0x5;
	v2 =	vshll.u32 v43, $0x4  }
0x71: {  	v61 =	vld [tilespmem:$0x260];
	v4 =	vshll.u32 v49, $0x5;
	v31 =	vshll.u32 v56, $0x3;
	v37 =	vshll.u32 v23, $0x4  }
0x72: {  	v62 =	vld [tilespmem:$0x2E0];
	v0 =	vadd.s32 v0, v1;
	v46 =	vadd.s32 v5, v6;
	v54 =	vadd.s32 v51, v52  }
0x73: {  	v25 =	vld [tilespmem:$0x3E0];
	v7 =	vadd.s32 v57, v58;
	v1 =	vshll.u32 v44, $0x3;
	v6 =	vshll.u32 v48, $0x6  }
0x74: {  	v26 =	vld [tilespmem:$0x270];
	v0 =	vadd.s32 v42, v0;
	v5 =	vadd.s32 v55, v54;
	v7 =	vadd.s32 v60, v7  }
0x75: {  	v27 =	vld [tilespmem:$0x2F0];
	v28 =	vadd.s32 v6, v4;
	v0 =	vadd.s32 v3, v0;
	v3 =	vadd.s32 v47, v46  }
0x76: {  	v30 =	vld [tilespmem:$0x370];
	v5 =	vadd.s32 v13, v5;
	v7 =	vadd.s32 v63, v7;
	v0 =	vadd.s32 v24, v0  }
0x77: {  	v45 =	vld [tilespmem:$0x8C0];
	v3 =	vadd.s32 v50, v3;
	v24 =	vadd.s32 v20, v21;
	v5 =	vadd.s32 v34, v5  }
0x78: {  	v59 =	vld [tilespmem:$0x8D0];
	v7 =	vadd.s32 v39, v7;
	v3 =	vadd.s32 v29, v3;
	v2 =	vadd.s32 v2, v24  }
0x79: {  	v32 =	vld [tilespmem:$0x3F0];
	v29 =	vshll.u32 v53, $0x4;
	v35 =	vshll.u32 v61, $0x6;
	v9 =	vshll.u32 v62, $0x5  }
0x7a: {  	v34 =	vld [tilespmem:$0x8E0];
	[tilespmem:$0xA80] =	vst v0;
	v39 =	vshll.u32 v26, $0x6;
	v40 =	vshll.u32 v27, $0x5;
	v41 =	vshll.u32 v25, $0x3  }
0x7b: {  	v38 =	vld [tilespmem:$0x8F0];
	[tilespmem:$0xAA0] =	vst v5;
	v42 =	vshll.u32 v30, $0x4;
	v1 =	vadd.s32 v1, v2;
	v2 =	vadd.s32 v29, v28  }
0x7c: {  	[tilespmem:$0xAB0] =	vst v7;
	v36 =	vadd.s32 v35, v9;
	v4 =	vadd.s32 v39, v40;
	v1 =	vadd.s32 v45, v1  }
0x7d: {  	[tilespmem:$0xA90] =	vst v3;
	v33 =	vadd.s32 v31, v2;
	v3 =	vadd.s32 v37, v36;
	v44 =	vadd.s32 v42, v4  }
0x7e: {  	v45 =	vshll.u32 v32, $0x3;
	v0 =	vadd.s32 v59, v33;
	[tilespmem:$0xAC0] =	vst v1;
	v43 =	vadd.s32 v41, v3  }
0x7f: {  	v47 =	vadd.s32 v45, v44;
	[tilespmem:$0xAD0] =	vst v0;
	v46 =	vadd.s32 v34, v43  }
0x80: {  	v48 =	vadd.s32 v38, v47;
	[tilespmem:$0xAE0] =	vst v46  }
0x81: {  	[tilespmem:$0xAF0] =	vst v48  }
0x82: {  	[tilespmem:s18], [sflag:$0x2] =	stream.indirect.gather [spmem:s2], $0x40, s17, s14, $0xb8;
	[tilespmem:$0x8E00] =	vst v63  }
0x83: {  	v49 =	vld [tilespmem:$0x400]  }
0x84: {  	v50 =	vld [tilespmem:$0x480]  }
0x85: {  	v51 =	vld [tilespmem:$0x500]  }
0x86: {  	v52 =	vld [tilespmem:$0x580]  }
0x87: {  	v53 =	vld [tilespmem:$0x900]  }
0x88: {  	v54 =	vld [tilespmem:$0x410]  }
0x89: {  	v55 =	vld [tilespmem:$0x490]  }
0x8a: {  	v56 =	vld [tilespmem:$0x510]  }
0x8b: {  	v57 =	vld [tilespmem:$0x590]  }
0x8c: {  	v58 =	vld [tilespmem:$0x910]  }
0x8d: {  	v59 =	vld [tilespmem:$0x420]  }
0x8e: {  	v60 =	vld [tilespmem:$0x4A0]  }
0x8f: {  	v61 =	vld [tilespmem:$0x520]  }
0x90: {  	v62 =	vld [tilespmem:$0x5A0]  }
0x91: {  	v63 =	vld [tilespmem:$0x920]  }
0x92: {  	v24 =	vld [tilespmem:$0x430]  }
0x93: {  	v25 =	vld [tilespmem:$0x4B0]  }
0x94: {  	v26 =	vld [tilespmem:$0x530]  }
0x95: {  	v27 =	vld [tilespmem:$0x5B0]  }
0x96: {  	v28 =	vld [tilespmem:$0x930]  }
0x97: {  	v30 =	vld [tilespmem:$0x4C0]  }
0x98: {  	v32 =	vld [tilespmem:$0x540]  }
0x99: {  	v38 =	vld [tilespmem:$0x4D0];
	v0 =	vshll.u32 v49, $0x6  }
0x9a: {  	v42 =	vld [tilespmem:$0x550];
	v1 =	vshll.u32 v50, $0x5;
	v31 =	vshll.u32 v51, $0x4;
	v3 =	vshll.u32 v52, $0x3  }
0x9b: {  	v16 =	vld [tilespmem:$0x5F0];
	v5 =	vshll.u32 v54, $0x6;
	v6 =	vshll.u32 v55, $0x5;
	v36 =	vshll.u32 v56, $0x4  }
0x9c: {  	v33 =	vld [tilespmem:$0x5C0];
	v39 =	vshll.u32 v57, $0x3;
	v40 =	vshll.u32 v59, $0x6;
	v41 =	vshll.u32 v60, $0x5  }
0x9d: {  	v37 =	vld [tilespmem:$0x450];
	v44 =	vshll.u32 v61, $0x4;
	v46 =	vshll.u32 v24, $0x6;
	v47 =	vshll.u32 v25, $0x5  }
0x9e: {  	v29 =	vld [tilespmem:$0x440];
	v13 =	vshll.u32 v62, $0x3;
	v49 =	vshll.u32 v26, $0x4;
	v52 =	vshll.u32 v27, $0x3  }
0x9f: {  	v45 =	vld [tilespmem:$0x5D0];
	v54 =	vshll.u32 v30, $0x5;
	v2 =	vshll.u32 v32, $0x4;
	v4 =	vshll.u32 v38, $0x5  }
0xa0: {  	v50 =	vld [tilespmem:$0x460];
	v61 =	vshll.u32 v42, $0x4;
	v30 =	vshll.u32 v16, $0x3;
	v0 =	vadd.s32 v0, v1  }
0xa1: {  	v51 =	vld [tilespmem:$0x4E0];
	v35 =	vadd.s32 v5, v6;
	v43 =	vadd.s32 v40, v41;
	v7 =	vadd.s32 v46, v47  }
0xa2: {  	v55 =	vld [tilespmem:$0x560];
	v1 =	vshll.u32 v33, $0x3;
	v6 =	vshll.u32 v37, $0x6;
	v0 =	vadd.s32 v31, v0  }
0xa3: {  	v57 =	vld [tilespmem:$0x5E0];
	v5 =	vadd.s32 v44, v43;
	v7 =	vadd.s32 v49, v7;
	v60 =	vadd.s32 v6, v4  }
0xa4: {  	v59 =	vld [tilespmem:$0x4F0];
	v0 =	vadd.s32 v3, v0;
	v3 =	vadd.s32 v36, v35;
	v5 =	vadd.s32 v13, v5  }
0xa5: {  	v62 =	vld [tilespmem:$0x570];
	v7 =	vadd.s32 v52, v7;
	v0 =	vadd.s32 v53, v0;
	v3 =	vadd.s32 v39, v3  }
0xa6: {  	v53 =	vshll.u32 v29, $0x6;
	v5 =	vadd.s32 v63, v5;
	v3 =	vadd.s32 v58, v3;
	v58 =	vld [tilespmem:$0x470]  }
0xa7: {  	v34 =	vld [tilespmem:$0x940];
	v7 =	vadd.s32 v28, v7;
	v63 =	vshll.u32 v45, $0x3;
	v56 =	vadd.s32 v53, v54  }
0xa8: {  	v48 =	vld [tilespmem:$0x950];
	v20 =	vshll.u32 v50, $0x6;
	v9 =	vshll.u32 v51, $0x5;
	v22 =	vshll.u32 v55, $0x4  }
0xa9: {  	v19 =	vld [tilespmem:$0x960];
	[tilespmem:$0xB00] =	vst v0;
	v25 =	vshll.u32 v59, $0x5;
	v26 =	vshll.u32 v57, $0x3;
	v2 =	vadd.s32 v2, v56  }
0xaa: {  	v23 =	vld [tilespmem:$0x970];
	[tilespmem:$0xB20] =	vst v5;
	v27 =	vshll.u32 v62, $0x4;
	v21 =	vadd.s32 v20, v9;
	v1 =	vadd.s32 v1, v2  }
0xab: {  	[tilespmem:$0xB10] =	vst v3;
	v2 =	vadd.s32 v61, v60;
	v3 =	vadd.s32 v22, v21;
	v24 =	vshll.u32 v58, $0x6  }
0xac: {  	[tilespmem:$0xB30] =	vst v7;
	v1 =	vadd.s32 v34, v1;
	v18 =	vadd.s32 v63, v2;
	v4 =	vadd.s32 v24, v25  }
0xad: {  	v28 =	vadd.s32 v26, v3;
	v0 =	vadd.s32 v48, v18;
	[tilespmem:$0xB40] =	vst v1;
	v29 =	vadd.s32 v27, v4  }
0xae: {  	v31 =	vadd.s32 v19, v28;
	[tilespmem:$0xB50] =	vst v0;
	v32 =	vadd.s32 v30, v29  }
0xaf: {  	[tilespmem:$0xB60] =	vst v31;
	v33 =	vadd.s32 v23, v32  }
0xb0: {  	[tilespmem:$0xB70] =	vst v33  }
0xb1: {  	[tilespmem:s20], [sflag:$0x2] =	stream.indirect.gather [spmem:s2], $0x40, s19, s14, $0xb8;
	[tilespmem:$0x8E00] =	vst v63  }
0xb2: {  	v34 =	vld [tilespmem:$0x600]  }
0xb3: {  	v35 =	vld [tilespmem:$0x680]  }
0xb4: {  	v36 =	vld [tilespmem:$0x700]  }
0xb5: {  	v37 =	vld [tilespmem:$0x780]  }
0xb6: {  	v38 =	vld [tilespmem:$0x980]  }
0xb7: {  	v39 =	vld [tilespmem:$0x610]  }
0xb8: {  	v40 =	vld [tilespmem:$0x690]  }
0xb9: {  	v41 =	vld [tilespmem:$0x710]  }
0xba: {  	v42 =	vld [tilespmem:$0x790]  }
0xbb: {  	v43 =	vld [tilespmem:$0x990]  }
0xbc: {  	v44 =	vld [tilespmem:$0x620]  }
0xbd: {  	v45 =	vld [tilespmem:$0x6A0]  }
0xbe: {  	v46 =	vld [tilespmem:$0x720]  }
0xbf: {  	v47 =	vld [tilespmem:$0x7A0]  }
0xc0: {  	v48 =	vld [tilespmem:$0x9A0]  }
0xc1: {  	v49 =	vld [tilespmem:$0x630]  }
0xc2: {  	v50 =	vld [tilespmem:$0x6B0]  }
0xc3: {  	v51 =	vld [tilespmem:$0x730]  }
0xc4: {  	v52 =	vld [tilespmem:$0x7B0]  }
0xc5: {  	v53 =	vld [tilespmem:$0x9B0]  }
0xc6: {  	v54 =	vld [tilespmem:$0x640]  }
0xc7: {  	v57 =	vld [tilespmem:$0x740]  }
0xc8: {  	v63 =	vld [tilespmem:$0x6D0];
	v0 =	vshll.u32 v34, $0x6  }
0xc9: {  	v26 =	vld [tilespmem:$0x750];
	v1 =	vshll.u32 v35, $0x5;
	v56 =	vshll.u32 v36, $0x4;
	v3 =	vshll.u32 v37, $0x3  }
0xca: {  	v29 =	vld [tilespmem:$0x7D0];
	v5 =	vshll.u32 v39, $0x6;
	v6 =	vshll.u32 v40, $0x5;
	v61 =	vshll.u32 v41, $0x4  }
0xcb: {  	v58 =	vld [tilespmem:$0x7C0];
	v23 =	vshll.u32 v42, $0x3;
	v24 =	vshll.u32 v44, $0x6;
	v25 =	vshll.u32 v45, $0x5  }
0xcc: {  	v62 =	vld [tilespmem:$0x650];
	v28 =	vshll.u32 v46, $0x4;
	v30 =	vshll.u32 v49, $0x6;
	v31 =	vshll.u32 v50, $0x5  }
0xcd: {  	v55 =	vld [tilespmem:$0x6C0];
	v13 =	vshll.u32 v47, $0x3;
	v33 =	vshll.u32 v51, $0x4;
	v36 =	vshll.u32 v52, $0x3  }
0xce: {  	v34 =	vld [tilespmem:$0x660];
	v37 =	vshll.u32 v54, $0x6;
	v2 =	vshll.u32 v57, $0x4;
	v4 =	vshll.u32 v63, $0x5  }
0xcf: {  	v35 =	vld [tilespmem:$0x6E0];
	v45 =	vshll.u32 v26, $0x4;
	v47 =	vshll.u32 v29, $0x3;
	v0 =	vadd.s32 v0, v1  }
0xd0: {  	v39 =	vld [tilespmem:$0x760];
	v60 =	vadd.s32 v5, v6;
	v27 =	vadd.s32 v24, v25;
	v7 =	vadd.s32 v30, v31  }
0xd1: {  	v41 =	vld [tilespmem:$0x7E0];
	v1 =	vshll.u32 v58, $0x3;
	v6 =	vshll.u32 v62, $0x6;
	v0 =	vadd.s32 v56, v0  }
0xd2: {  	v42 =	vld [tilespmem:$0x670];
	v5 =	vadd.s32 v28, v27;
	v7 =	vadd.s32 v33, v7;
	v44 =	vadd.s32 v6, v4  }
0xd3: {  	v46 =	vld [tilespmem:$0x770];
	v0 =	vadd.s32 v3, v0;
	v3 =	vadd.s32 v61, v60;
	v5 =	vadd.s32 v13, v5  }
0xd4: {  	v59 =	vld [tilespmem:$0x9C0];
	v7 =	vadd.s32 v36, v7;
	v0 =	vadd.s32 v38, v0;
	v3 =	vadd.s32 v23, v3  }
0xd5: {  	v38 =	vshll.u32 v55, $0x5;
	v5 =	vadd.s32 v48, v5;
	v3 =	vadd.s32 v43, v3;
	v43 =	vld [tilespmem:$0x6F0]  }
0xd6: {  	v32 =	vld [tilespmem:$0x9D0];
	v7 =	vadd.s32 v53, v7;
	v40 =	vadd.s32 v37, v38;
	v51 =	vshll.u32 v34, $0x6  }
0xd7: {  	v48 =	vld [tilespmem:$0x7F0];
	v9 =	vshll.u32 v35, $0x5;
	v53 =	vshll.u32 v39, $0x4;
	v55 =	vshll.u32 v42, $0x6  }
0xd8: {  	v50 =	vld [tilespmem:$0x9E0];
	[tilespmem:$0xB80] =	vst v0;
	v57 =	vshll.u32 v41, $0x3;
	v6 =	vshll.u32 v46, $0x4;
	v2 =	vadd.s32 v2, v40  }
0xd9: {  	v54 =	vld [tilespmem:$0x9F0];
	[tilespmem:$0xBA0] =	vst v5;
	v52 =	vadd.s32 v51, v9;
	v1 =	vadd.s32 v1, v2;
	v2 =	vadd.s32 v45, v44  }
0xda: {  	[tilespmem:$0xB90] =	vst v3;
	v3 =	vadd.s32 v53, v52;
	v1 =	vadd.s32 v59, v1;
	v56 =	vshll.u32 v43, $0x5  }
0xdb: {  	[tilespmem:$0xBB0] =	vst v7;
	v49 =	vadd.s32 v47, v2;
	v58 =	vadd.s32 v57, v3;
	v4 =	vadd.s32 v55, v56  }
0xdc: {  	v0 =	vadd.s32 v32, v49;
	[tilespmem:$0xBC0] =	vst v1;
	v60 =	vshll.u32 v48, $0x3;
	v59 =	vadd.s32 v6, v4  }
0xdd: {  	v61 =	vadd.s32 v50, v58;
	[tilespmem:$0xBD0] =	vst v0;
	v62 =	vadd.s32 v60, v59  }
0xde: {  	[tilespmem:$0xBE0] =	vst v61;
	v63 =	vadd.s32 v54, v62  }
0xdf: {  	[tilespmem:$0xBF0] =	vst v63  }
0xe0: {  	[tilespmem:s22], [sflag:$0x2] =	stream.indirect.gather [spmem:s2], $0x40, s21, s14, $0xb8;
	[tilespmem:$0x8E00] =	vst v63  }
0xe1: {  	_ =	swait.ge [sflag:s23], $0x2000  }
0xe2: {  	[sflag:s23] =	ssyncset.done $0x0  }
0xe3: {  	[sflag:s23] =	ssyncadd.s32 $0xFFFFE000  }
0xe4: {  	[hbm4b:s6+s24] =	stream.strided.scatter [tilespmem:s16], [sflag:$0x1], $0x2000, s14, s24, $0x38;
	[tilespmem:$0x8E00] =	vst v63  }
0xe5: {  	_ =	swait.ge [sflag:s23], $0x2000  }
0xe6: {  	[sflag:s23] =	ssyncset.done $0x0  }
0xe7: {  	[sflag:s23] =	ssyncadd.s32 $0xFFFFE000  }
0xe8: {  	[hbm4b:s7+s24] =	stream.strided.scatter [tilespmem:s18], [sflag:$0x1], $0x2000, s14, s24, $0x38;
	[tilespmem:$0x8E00] =	vst v63  }
0xe9: {  	_ =	swait.ge [sflag:s23], $0x2000  }
0xea: {  	[sflag:s23] =	ssyncset.done $0x0  }
0xeb: {  	[sflag:s23] =	ssyncadd.s32 $0xFFFFE000  }
0xec: {  	[hbm4b:s8+s24] =	stream.strided.scatter [tilespmem:s20], [sflag:$0x1], $0x2000, s14, s24, $0x38;
	[tilespmem:$0x8E00] =	vst v63  }
0xed: {  	_ =	swait.ge [sflag:s23], $0x2000  }
0xee: {  	[sflag:s23] =	ssyncset.done $0x0  }
0xef: {  	[sflag:s23] =	ssyncadd.s32 $0xFFFFE000  }
0xf0: {  	[hbm4b:s9+s24] =	stream.strided.scatter [tilespmem:s22], [sflag:$0x1], $0x2000, s14, s24, $0x38;
	[tilespmem:$0x8E00] =	vst v63  }
0xf1: {  	_ =	swait.ge [sflag:s13], $0x2000  }
0xf2: {  	[sflag:s13] =	ssyncset.done $0x0  }
0xf3: {  	[sflag:s13] =	ssyncadd.s32 $0xFFFFE000  }
0xf4: {  	_ =	swait.ge [sflag:s13], $0x2000  }
0xf5: {  	[sflag:s13] =	ssyncset.done $0x0  }
0xf6: {  	s10 =	sadd.s32 $0xFFFFFFFF, s10;
	[sflag:s13] =	ssyncadd.s32 $0xFFFFE000  }
0xf7: {  	p1 =	sne.s32 s10, $0x0;
	_ =	swait.ge [sflag:s13], $0x2000  }
.Ltmp0:
0xf8: {  	[sflag:s13] =	ssyncset.done $0x0;
	(pc) =	sbr.rel @p1 .LBB2_1-.Ltmp0, $4  }
0xf9: {  	[sflag:s13] =	ssyncadd.s32 $0xFFFFE000  }
0xfa: {  	_ =	swait.ge [sflag:s13], $0x2000  }
0xfb: {  	[sflag:s13] =	ssyncset.done $0x0  }
0xfc: {  	[sflag:s13] =	ssyncadd.s32 $0xFFFFE000  }
0xfd: {  	_ =	sfence.sel $0x180000  }
0xfe: {  	[bflag:$0x0] =	sbarrier.arrive $0xFFFF  }
0xff: {  	_ =	strace $0x90000047  }
0x100: {  	s0 =	sadd.s32 @!p0 $0x100000, s0;
	[bflag:$0x2] =	sbarrier.arrive $0xFFFF  }
0x101: {  	[sflag:s0] =	ssyncadd.tile.s32 @!p0 $0x1;
	_ =	shalt  }
.Lfunc_end2:
_tile_overlayer_lowered:
.L_overlay_start_2:
0x102: {  	(tag) =	ssettag $0x2  }
0x103: {  	s0 =	rddreg [dreg:$0x0];
	s2 =	stileid.u32  }
0x104: {  	s1 =	rddreg [dreg:$0x1];
	p0 =	sne.s32 s2, $0x0  }
0x105: {  	s3 =	rddreg [dreg:$0x2];
	[bflag:$0x3] =	sbarrier.arrive $0xFFFF;
	s2 =	simm.s32 @!p0 $0x1C03  }
0x106: {  	[timem:s3], [sflag:s2] =	dma.local @!p0 [hbm:s0], s1  }
0x107: {  	s0 =	simm.s32 @!p0 $0x3  }
0x108: {  	_ =	swait.ge @!p0 [sflag:s0], s1  }
0x109: {  	s1 =	ssub.s32 @!p0 $0x0, s1;
	[sflag:s0] =	ssyncset.done @!p0 $0x0  }
0x10a: {  	[sflag:s0] =	ssyncadd.s32 @!p0 s1  }
0x10b: {  	[bflag:$0x3] =	sbarrier.arrive $0xFFFF  }
0x10c: {  	_ =	shalt  }

</sc_bundles>
